<compile_context>
chip_gen: v7x
topology: tpu7x:2x2x1
jax: 0.10.2.dev20260603
libtpu: 0.0.44.dev20260713+nightly
codegen_flags: <defaults>
</compile_context>

<pallas_src>
import functools

import jax
import jax.numpy as jnp
from jax import lax
from jax.experimental import pallas as pl
from jax.experimental.pallas import tpu as pltpu
from jax.experimental.pallas import tpu_sc as plsc

_NW = 32
_LANES = 16
_COLS_PER_CHUNK = 128


@functools.partial(jax.jit, static_argnums=(0, 1))
def _lut_gather(n_rows, n_cols, codes, lut32):
    cols_per_w = n_cols // _NW
    n_chunks = cols_per_w // _COLS_PER_CHUNK
    n_j = _COLS_PER_CHUNK // _LANES
    mesh = plsc.VectorSubcoreMesh(core_axis_name="c", subcore_axis_name="s")

    @functools.partial(
        pl.kernel,
        out_type=jax.ShapeDtypeStruct((n_rows, n_cols), jnp.int32),
        mesh=mesh,
        compiler_params=pltpu.CompilerParams(
            needs_layout_passes=False, use_tc_tiling_on_sc=True),
        scratch_types=[
            pltpu.VMEM((256,), jnp.int32),
            pltpu.VMEM((n_rows, _COLS_PER_CHUNK), jnp.int32),
            pltpu.VMEM((n_rows, _COLS_PER_CHUNK), jnp.int32),
            pltpu.VMEM((n_rows, _COLS_PER_CHUNK), jnp.int32),
            pltpu.VMEM((n_rows, _COLS_PER_CHUNK), jnp.int32),
            pltpu.SemaphoreType.DMA,
            pltpu.SemaphoreType.DMA,
            pltpu.SemaphoreType.DMA,
            pltpu.SemaphoreType.DMA,
        ],
    )
    def k(codes_hbm, lut_hbm, out_hbm, lut_v, in_v0, in_v1, out_v0, out_v1,
          isem0, isem1, osem0, osem1):
        wid = lax.axis_index("s") * 2 + lax.axis_index("c")
        base_col = wid * cols_per_w
        pltpu.sync_copy(lut_hbm, lut_v)
        in_bufs = (in_v0, in_v1)
        out_bufs = (out_v0, out_v1)
        isems = (isem0, isem1)
        osems = (osem0, osem1)
        in_cps = [None, None]
        out_cps = [None, None]

        def start_in(g):
            b = g % 2
            in_cps[b] = pltpu.async_copy(
                codes_hbm.at[:, pl.ds(base_col + g * _COLS_PER_CHUNK,
                                      _COLS_PER_CHUNK)],
                in_bufs[b], isems[b])

        start_in(0)
        for g in range(n_chunks):
            b = g % 2
            if g + 1 < n_chunks:
                start_in(g + 1)
            in_cps[b].wait()
            if out_cps[b] is not None:
                out_cps[b].wait()
            in_v, out_v = in_bufs[b], out_bufs[b]

            @plsc.parallel_loop(0, n_rows, 1, unroll=2)
            def body(p):
                for j in range(n_j):
                    idx = in_v[p, pl.ds(j * _LANES, _LANES)]
                    out_v[p, pl.ds(j * _LANES, _LANES)] = plsc.load_gather(
                        lut_v, [idx])

            out_cps[b] = pltpu.async_copy(
                out_bufs[b],
                out_hbm.at[:, pl.ds(base_col + g * _COLS_PER_CHUNK,
                                    _COLS_PER_CHUNK)], osems[b])

        for b in range(2):
            if out_cps[b] is not None:
                out_cps[b].wait()

    return k(codes, lut32)


def kernel(char_bytes, lut):
    B, L = char_bytes.shape
    lut32 = lut.astype(jnp.int32)
    codes_t = char_bytes.astype(jnp.int32).T
    out_t = _lut_gather(L, B, codes_t, lut32)
    return out_t.T.astype(lut.dtype)

# --- scband reference (transcript-rebuilt; emitter-appended) ---
"""Pipeline reference for scband-text-vectorization-46626164965417 (READ-ONLY COPY).

The authoritative reference and input builder live on the scoring server;
editing this copy changes nothing except your own understanding.
"""

import jax, jax.numpy as jnp
import numpy as np

VOCAB_STRING = " ^#%()+-./0123456789=@ABCDEFGHIKLMNOPRSTVXYZ[\\]abcdefgilmnoprstuy$"
N_OOV_BUCKETS = 1


def _build_lut():
    # Emulates tf.lookup.StaticVocabularyTable over byte-split strings.
    # Keys are single characters (bytes 0..255). In-vocab bytes map to their
    # position in VOCAB_STRING; any other byte is hashed into one of the
    # n_oov_buckets OOV buckets [vocab_size, vocab_size + n_oov_buckets).
    vocab_bytes = np.frombuffer(VOCAB_STRING.encode('latin-1'), dtype=np.uint8)
    vocab_size = len(vocab_bytes)
    lut = np.empty(256, dtype=np.int64)
    for b in range(256):
        lut[b] = vocab_size + (b % N_OOV_BUCKETS)  # OOV bucket (deterministic stand-in for TF's fingerprint hash)
    for i, b in enumerate(vocab_bytes):
        lut[int(b)] = i
    return jnp.asarray(lut)


def setup_inputs(seed: int = 0) -> dict:
    key = jax.random.key(seed)
    B, L = 16384, 200
    # char_bytes[b, l] is the raw byte value of character l of string b.
    # This is the dense output of preprocess(): tf.strings.bytes_split(X).to_tensor(),
    # pre-materialized as integer byte codes since JAX has no string dtype.
    char_bytes = jax.random.randint(key, (B, L), 0, 256, dtype=jnp.int32)
    return {"char_bytes": char_bytes, "lut": _build_lut()}


def reference(char_bytes, lut):
    # call(): table.lookup(preprocessed_inputs) -> per-character id gather
    return jnp.take(lut, char_bytes, axis=0)

if __name__ == "__main__":
    import jax
    _d = setup_inputs()
    print(jax.jit(kernel)(*tuple(_d.values())))

</pallas_src>

<mosaic_0001>
#map = affine_map<(d0, d1) -> (0, 0)>
#map1 = affine_map<(d0, d1) -> (0)>
module attributes {stable_mosaic.version = 14 : i64} {
  func.func @k(%arg0: i32, %arg1: i32, %arg2: memref<200x16384xi32, #tpu.memory_space<hbm>>, %arg3: memref<256xi32, #tpu.memory_space<hbm>>, %arg4: memref<200x16384xi32, #tpu.memory_space<hbm>>, %arg5: memref<256xi32, #tpu.memory_space<vmem>>, %arg6: memref<200x128xi32, #tpu.memory_space<vmem>>, %arg7: memref<200x128xi32, #tpu.memory_space<vmem>>, %arg8: memref<200x128xi32, #tpu.memory_space<vmem>>, %arg9: memref<200x128xi32, #tpu.memory_space<vmem>>, %arg10: memref<!tpu.dma_semaphore, #tpu.memory_space<semaphore_mem>>, %arg11: memref<!tpu.dma_semaphore, #tpu.memory_space<semaphore_mem>>, %arg12: memref<!tpu.dma_semaphore, #tpu.memory_space<semaphore_mem>>, %arg13: memref<!tpu.dma_semaphore, #tpu.memory_space<semaphore_mem>>) attributes {dimension_semantics = [#tpu.dimension_semantics<core_parallel>, #tpu.dimension_semantics<subcore_parallel>], iteration_bounds = array<i64: 2, 16>, scalar_prefetch = 0 : i64, scratch_operands = 9 : i64, tpu.core_type = #tpu.core_type<sc_vector_subcore>, window_params = [{transform_indices = #map}, {transform_indices = #map1}, {transform_indices = #map}]} {
    %mul3A = arith.constant 2 : i32
    %mul3A_0 = arith.muli %arg1, %mul3A : i32
    %add3A = arith.addi %mul3A_0, %arg0 : i32
    %mul3A_1 = arith.constant 512 : i32
    %mul3A_2 = arith.muli %add3A, %mul3A_1 : i32
    "tpu.region"() ({
      %run_scoped3A = tpu.sem_alloc : memref<!tpu.dma_semaphore, #tpu.memory_space<semaphore_mem>>
      tpu.enqueue_dma source(%arg3 : memref<256xi32, #tpu.memory_space<hbm>>) target(%arg5 : memref<256xi32, #tpu.memory_space<vmem>>) target_semaphore(%run_scoped3A : memref<!tpu.dma_semaphore, #tpu.memory_space<semaphore_mem>>)
      tpu.wait_dma2 semaphore(%run_scoped3A : memref<!tpu.dma_semaphore, #tpu.memory_space<semaphore_mem>>) src(%arg3 : memref<256xi32, #tpu.memory_space<hbm>>) dst(%arg5 : memref<256xi32, #tpu.memory_space<vmem>>)
      tpu.yield
    }) : () -> ()
    %add3A_3 = arith.constant 0 : i32
    %add3A_4 = arith.addi %mul3A_2, %add3A_3 : i32
    %dma_start3A = arith.constant 0 : i32
    %dma_start3A_5 = tpu.memref_slice %arg2[%dma_start3A, %add3A_4] : memref<200x16384xi32, #tpu.memory_space<hbm>> -> memref<200x128xi32, #tpu.memory_space<hbm>>
    %dma_start3A_6 = arith.constant 0 : i32
    %dma_start3A_7 = tpu.memref_slice %arg2[%dma_start3A_6, %add3A_4] : memref<200x16384xi32, #tpu.memory_space<hbm>> -> memref<200x128xi32, #tpu.memory_space<hbm>>
    tpu.enqueue_dma source(%dma_start3A_7 : memref<200x128xi32, #tpu.memory_space<hbm>>) target(%arg6 : memref<200x128xi32, #tpu.memory_space<vmem>>) target_semaphore(%arg10 : memref<!tpu.dma_semaphore, #tpu.memory_space<semaphore_mem>>)
    %add3A_8 = arith.constant 128 : i32
    %add3A_9 = arith.addi %mul3A_2, %add3A_8 : i32
    %dma_start3A_10 = arith.constant 0 : i32
    %dma_start3A_11 = tpu.memref_slice %arg2[%dma_start3A_10, %add3A_9] : memref<200x16384xi32, #tpu.memory_space<hbm>> -> memref<200x128xi32, #tpu.memory_space<hbm>>
    %dma_start3A_12 = arith.constant 0 : i32
    %dma_start3A_13 = tpu.memref_slice %arg2[%dma_start3A_12, %add3A_9] : memref<200x16384xi32, #tpu.memory_space<hbm>> -> memref<200x128xi32, #tpu.memory_space<hbm>>
    tpu.enqueue_dma source(%dma_start3A_13 : memref<200x128xi32, #tpu.memory_space<hbm>>) target(%arg7 : memref<200x128xi32, #tpu.memory_space<vmem>>) target_semaphore(%arg11 : memref<!tpu.dma_semaphore, #tpu.memory_space<semaphore_mem>>)
    %dma_wait3A = arith.constant 0 : i32
    %dma_wait3A_14 = tpu.memref_slice %arg2[%dma_wait3A, %add3A_4] : memref<200x16384xi32, #tpu.memory_space<hbm>> -> memref<200x128xi32, #tpu.memory_space<hbm>>
    %dma_wait3A_15 = arith.constant 0 : i32
    %dma_wait3A_16 = tpu.memref_slice %arg2[%dma_wait3A_15, %add3A_4] : memref<200x16384xi32, #tpu.memory_space<hbm>> -> memref<200x128xi32, #tpu.memory_space<hbm>>
    tpu.wait_dma2 semaphore(%arg10 : memref<!tpu.dma_semaphore, #tpu.memory_space<semaphore_mem>>) src(%dma_wait3A_16 : memref<200x128xi32, #tpu.memory_space<hbm>>) dst(%arg6 : memref<200x128xi32, #tpu.memory_space<vmem>>)
    %parallel_loop3A = arith.constant 0 : i32
    %parallel_loop3A_17 = arith.constant 200 : i32
    %parallel_loop3A_18 = arith.constant 1 : i32
    scf.for %parallel_loop3A_92 = %parallel_loop3A to %parallel_loop3A_17 step %parallel_loop3A_18  : i32 {
      %parallel_loop3A_93 = arith.index_cast %parallel_loop3A_92 : i32 to index
      %parallel_loop3A_94 = arith.constant 0 : index
      %parallel_loop3A_95 = tpu.vector_load %arg6[%parallel_loop3A_93, %parallel_loop3A_94] {strides = array<i32>} : memref<200x128xi32, #tpu.memory_space<vmem>>, vector<16xi32>,
      %parallel_loop3A_96 = tpu.vector_load_idx %arg5[%parallel_loop3A_95] : memref<256xi32, #tpu.memory_space<vmem>>[vector<16xi32>], vector<16xi32>,
      %parallel_loop3A_97 = arith.index_cast %parallel_loop3A_92 : i32 to index
      %parallel_loop3A_98 = arith.constant 0 : index
      %parallel_loop3A_99 = tpu.vector_load %arg8[%parallel_loop3A_97, %parallel_loop3A_98] {strides = array<i32>} : memref<200x128xi32, #tpu.memory_space<vmem>>, vector<16xi32>,
      tpu.vector_store %arg8[%parallel_loop3A_97, %parallel_loop3A_98], %parallel_loop3A_96 {strides = array<i32>} : memref<200x128xi32, #tpu.memory_space<vmem>>, vector<16xi32>,
      %parallel_loop3A_100 = arith.index_cast %parallel_loop3A_92 : i32 to index
      %parallel_loop3A_101 = arith.constant 16 : index
      %parallel_loop3A_102 = tpu.vector_load %arg6[%parallel_loop3A_100, %parallel_loop3A_101] {strides = array<i32>} : memref<200x128xi32, #tpu.memory_space<vmem>>, vector<16xi32>,
      %parallel_loop3A_103 = tpu.vector_load_idx %arg5[%parallel_loop3A_102] : memref<256xi32, #tpu.memory_space<vmem>>[vector<16xi32>], vector<16xi32>,
      %parallel_loop3A_104 = arith.index_cast %parallel_loop3A_92 : i32 to index
      %parallel_loop3A_105 = arith.constant 16 : index
      %parallel_loop3A_106 = tpu.vector_load %arg8[%parallel_loop3A_104, %parallel_loop3A_105] {strides = array<i32>} : memref<200x128xi32, #tpu.memory_space<vmem>>, vector<16xi32>,
      tpu.vector_store %arg8[%parallel_loop3A_104, %parallel_loop3A_105], %parallel_loop3A_103 {strides = array<i32>} : memref<200x128xi32, #tpu.memory_space<vmem>>, vector<16xi32>,
      %parallel_loop3A_107 = arith.index_cast %parallel_loop3A_92 : i32 to index
      %parallel_loop3A_108 = arith.constant 32 : index
      %parallel_loop3A_109 = tpu.vector_load %arg6[%parallel_loop3A_107, %parallel_loop3A_108] {strides = array<i32>} : memref<200x128xi32, #tpu.memory_space<vmem>>, vector<16xi32>,
      %parallel_loop3A_110 = tpu.vector_load_idx %arg5[%parallel_loop3A_109] : memref<256xi32, #tpu.memory_space<vmem>>[vector<16xi32>], vector<16xi32>,
      %parallel_loop3A_111 = arith.index_cast %parallel_loop3A_92 : i32 to index
      %parallel_loop3A_112 = arith.constant 32 : index
      %parallel_loop3A_113 = tpu.vector_load %arg8[%parallel_loop3A_111, %parallel_loop3A_112] {strides = array<i32>} : memref<200x128xi32, #tpu.memory_space<vmem>>, vector<16xi32>,
      tpu.vector_store %arg8[%parallel_loop3A_111, %parallel_loop3A_112], %parallel_loop3A_110 {strides = array<i32>} : memref<200x128xi32, #tpu.memory_space<vmem>>, vector<16xi32>,
      %parallel_loop3A_114 = arith.index_cast %parallel_loop3A_92 : i32 to index
      %parallel_loop3A_115 = arith.constant 48 : index
      %parallel_loop3A_116 = tpu.vector_load %arg6[%parallel_loop3A_114, %parallel_loop3A_115] {strides = array<i32>} : memref<200x128xi32, #tpu.memory_space<vmem>>, vector<16xi32>,
      %parallel_loop3A_117 = tpu.vector_load_idx %arg5[%parallel_loop3A_116] : memref<256xi32, #tpu.memory_space<vmem>>[vector<16xi32>], vector<16xi32>,
      %parallel_loop3A_118 = arith.index_cast %parallel_loop3A_92 : i32 to index
      %parallel_loop3A_119 = arith.constant 48 : index
      %parallel_loop3A_120 = tpu.vector_load %arg8[%parallel_loop3A_118, %parallel_loop3A_119] {strides = array<i32>} : memref<200x128xi32, #tpu.memory_space<vmem>>, vector<16xi32>,
      tpu.vector_store %arg8[%parallel_loop3A_118, %parallel_loop3A_119], %parallel_loop3A_117 {strides = array<i32>} : memref<200x128xi32, #tpu.memory_space<vmem>>, vector<16xi32>,
      %parallel_loop3A_121 = arith.index_cast %parallel_loop3A_92 : i32 to index
      %parallel_loop3A_122 = arith.constant 64 : index
      %parallel_loop3A_123 = tpu.vector_load %arg6[%parallel_loop3A_121, %parallel_loop3A_122] {strides = array<i32>} : memref<200x128xi32, #tpu.memory_space<vmem>>, vector<16xi32>,
      %parallel_loop3A_124 = tpu.vector_load_idx %arg5[%parallel_loop3A_123] : memref<256xi32, #tpu.memory_space<vmem>>[vector<16xi32>], vector<16xi32>,
      %parallel_loop3A_125 = arith.index_cast %parallel_loop3A_92 : i32 to index
      %parallel_loop3A_126 = arith.constant 64 : index
      %parallel_loop3A_127 = tpu.vector_load %arg8[%parallel_loop3A_125, %parallel_loop3A_126] {strides = array<i32>} : memref<200x128xi32, #tpu.memory_space<vmem>>, vector<16xi32>,
      tpu.vector_store %arg8[%parallel_loop3A_125, %parallel_loop3A_126], %parallel_loop3A_124 {strides = array<i32>} : memref<200x128xi32, #tpu.memory_space<vmem>>, vector<16xi32>,
      %parallel_loop3A_128 = arith.index_cast %parallel_loop3A_92 : i32 to index
      %parallel_loop3A_129 = arith.constant 80 : index
      %parallel_loop3A_130 = tpu.vector_load %arg6[%parallel_loop3A_128, %parallel_loop3A_129] {strides = array<i32>} : memref<200x128xi32, #tpu.memory_space<vmem>>, vector<16xi32>,
      %parallel_loop3A_131 = tpu.vector_load_idx %arg5[%parallel_loop3A_130] : memref<256xi32, #tpu.memory_space<vmem>>[vector<16xi32>], vector<16xi32>,
      %parallel_loop3A_132 = arith.index_cast %parallel_loop3A_92 : i32 to index
      %parallel_loop3A_133 = arith.constant 80 : index
      %parallel_loop3A_134 = tpu.vector_load %arg8[%parallel_loop3A_132, %parallel_loop3A_133] {strides = array<i32>} : memref<200x128xi32, #tpu.memory_space<vmem>>, vector<16xi32>,
      tpu.vector_store %arg8[%parallel_loop3A_132, %parallel_loop3A_133], %parallel_loop3A_131 {strides = array<i32>} : memref<200x128xi32, #tpu.memory_space<vmem>>, vector<16xi32>,
      %parallel_loop3A_135 = arith.index_cast %parallel_loop3A_92 : i32 to index
      %parallel_loop3A_136 = arith.constant 96 : index
      %parallel_loop3A_137 = tpu.vector_load %arg6[%parallel_loop3A_135, %parallel_loop3A_136] {strides = array<i32>} : memref<200x128xi32, #tpu.memory_space<vmem>>, vector<16xi32>,
      %parallel_loop3A_138 = tpu.vector_load_idx %arg5[%parallel_loop3A_137] : memref<256xi32, #tpu.memory_space<vmem>>[vector<16xi32>], vector<16xi32>,
      %parallel_loop3A_139 = arith.index_cast %parallel_loop3A_92 : i32 to index
      %parallel_loop3A_140 = arith.constant 96 : index
      %parallel_loop3A_141 = tpu.vector_load %arg8[%parallel_loop3A_139, %parallel_loop3A_140] {strides = array<i32>} : memref<200x128xi32, #tpu.memory_space<vmem>>, vector<16xi32>,
      tpu.vector_store %arg8[%parallel_loop3A_139, %parallel_loop3A_140], %parallel_loop3A_138 {strides = array<i32>} : memref<200x128xi32, #tpu.memory_space<vmem>>, vector<16xi32>,
      %parallel_loop3A_142 = arith.index_cast %parallel_loop3A_92 : i32 to index
      %parallel_loop3A_143 = arith.constant 112 : index
      %parallel_loop3A_144 = tpu.vector_load %arg6[%parallel_loop3A_142, %parallel_loop3A_143] {strides = array<i32>} : memref<200x128xi32, #tpu.memory_space<vmem>>, vector<16xi32>,
      %parallel_loop3A_145 = tpu.vector_load_idx %arg5[%parallel_loop3A_144] : memref<256xi32, #tpu.memory_space<vmem>>[vector<16xi32>], vector<16xi32>,
      %parallel_loop3A_146 = arith.index_cast %parallel_loop3A_92 : i32 to index
      %parallel_loop3A_147 = arith.constant 112 : index
      %parallel_loop3A_148 = tpu.vector_load %arg8[%parallel_loop3A_146, %parallel_loop3A_147] {strides = array<i32>} : memref<200x128xi32, #tpu.memory_space<vmem>>, vector<16xi32>,
      tpu.vector_store %arg8[%parallel_loop3A_146, %parallel_loop3A_147], %parallel_loop3A_145 {strides = array<i32>} : memref<200x128xi32, #tpu.memory_space<vmem>>, vector<16xi32>,
    } {sc.loop_unroll_factor = 2 : i64, sc.parallel_access}
    %add3A_19 = arith.constant 0 : i32
    %add3A_20 = arith.addi %mul3A_2, %add3A_19 : i32
    %dma_start3A_21 = arith.constant 0 : i32
    %dma_start3A_22 = tpu.memref_slice %arg4[%dma_start3A_21, %add3A_20] : memref<200x16384xi32, #tpu.memory_space<hbm>> -> memref<200x128xi32, #tpu.memory_space<hbm>>
    %dma_start3A_23 = arith.constant 0 : i32
    %dma_start3A_24 = tpu.memref_slice %arg4[%dma_start3A_23, %add3A_20] : memref<200x16384xi32, #tpu.memory_space<hbm>> -> memref<200x128xi32, #tpu.memory_space<hbm>>
    tpu.enqueue_dma source(%arg8 : memref<200x128xi32, #tpu.memory_space<vmem>>) target(%dma_start3A_24 : memref<200x128xi32, #tpu.memory_space<hbm>>) target_semaphore(%arg12 : memref<!tpu.dma_semaphore, #tpu.memory_space<semaphore_mem>>)
    %add3A_25 = arith.constant 256 : i32
    %add3A_26 = arith.addi %mul3A_2, %add3A_25 : i32
    %dma_start3A_27 = arith.constant 0 : i32
    %dma_start3A_28 = tpu.memref_slice %arg2[%dma_start3A_27, %add3A_26] : memref<200x16384xi32, #tpu.memory_space<hbm>> -> memref<200x128xi32, #tpu.memory_space<hbm>>
    %dma_start3A_29 = arith.constant 0 : i32
    %dma_start3A_30 = tpu.memref_slice %arg2[%dma_start3A_29, %add3A_26] : memref<200x16384xi32, #tpu.memory_space<hbm>> -> memref<200x128xi32, #tpu.memory_space<hbm>>
    tpu.enqueue_dma source(%dma_start3A_30 : memref<200x128xi32, #tpu.memory_space<hbm>>) target(%arg6 : memref<200x128xi32, #tpu.memory_space<vmem>>) target_semaphore(%arg10 : memref<!tpu.dma_semaphore, #tpu.memory_space<semaphore_mem>>)
    %dma_wait3A_31 = arith.constant 0 : i32
    %dma_wait3A_32 = tpu.memref_slice %arg2[%dma_wait3A_31, %add3A_9] : memref<200x16384xi32, #tpu.memory_space<hbm>> -> memref<200x128xi32, #tpu.memory_space<hbm>>
    %dma_wait3A_33 = arith.constant 0 : i32
    %dma_wait3A_34 = tpu.memref_slice %arg2[%dma_wait3A_33, %add3A_9] : memref<200x16384xi32, #tpu.memory_space<hbm>> -> memref<200x128xi32, #tpu.memory_space<hbm>>
    tpu.wait_dma2 semaphore(%arg11 : memref<!tpu.dma_semaphore, #tpu.memory_space<semaphore_mem>>) src(%dma_wait3A_34 : memref<200x128xi32, #tpu.memory_space<hbm>>) dst(%arg7 : memref<200x128xi32, #tpu.memory_space<vmem>>)
    %parallel_loop3A_35 = arith.constant 0 : i32
    %parallel_loop3A_36 = arith.constant 200 : i32
    %parallel_loop3A_37 = arith.constant 1 : i32
    scf.for %parallel_loop3A_92 = %parallel_loop3A_35 to %parallel_loop3A_36 step %parallel_loop3A_37  : i32 {
      %parallel_loop3A_93 = arith.index_cast %parallel_loop3A_92 : i32 to index
      %parallel_loop3A_94 = arith.constant 0 : index
      %parallel_loop3A_95 = tpu.vector_load %arg7[%parallel_loop3A_93, %parallel_loop3A_94] {strides = array<i32>} : memref<200x128xi32, #tpu.memory_space<vmem>>, vector<16xi32>,
      %parallel_loop3A_96 = tpu.vector_load_idx %arg5[%parallel_loop3A_95] : memref<256xi32, #tpu.memory_space<vmem>>[vector<16xi32>], vector<16xi32>,
      %parallel_loop3A_97 = arith.index_cast %parallel_loop3A_92 : i32 to index
      %parallel_loop3A_98 = arith.constant 0 : index
      %parallel_loop3A_99 = tpu.vector_load %arg9[%parallel_loop3A_97, %parallel_loop3A_98] {strides = array<i32>} : memref<200x128xi32, #tpu.memory_space<vmem>>, vector<16xi32>,
      tpu.vector_store %arg9[%parallel_loop3A_97, %parallel_loop3A_98], %parallel_loop3A_96 {strides = array<i32>} : memref<200x128xi32, #tpu.memory_space<vmem>>, vector<16xi32>,
      %parallel_loop3A_100 = arith.index_cast %parallel_loop3A_92 : i32 to index
      %parallel_loop3A_101 = arith.constant 16 : index
      %parallel_loop3A_102 = tpu.vector_load %arg7[%parallel_loop3A_100, %parallel_loop3A_101] {strides = array<i32>} : memref<200x128xi32, #tpu.memory_space<vmem>>, vector<16xi32>,
      %parallel_loop3A_103 = tpu.vector_load_idx %arg5[%parallel_loop3A_102] : memref<256xi32, #tpu.memory_space<vmem>>[vector<16xi32>], vector<16xi32>,
      %parallel_loop3A_104 = arith.index_cast %parallel_loop3A_92 : i32 to index
      %parallel_loop3A_105 = arith.constant 16 : index
      %parallel_loop3A_106 = tpu.vector_load %arg9[%parallel_loop3A_104, %parallel_loop3A_105] {strides = array<i32>} : memref<200x128xi32, #tpu.memory_space<vmem>>, vector<16xi32>,
      tpu.vector_store %arg9[%parallel_loop3A_104, %parallel_loop3A_105], %parallel_loop3A_103 {strides = array<i32>} : memref<200x128xi32, #tpu.memory_space<vmem>>, vector<16xi32>,
      %parallel_loop3A_107 = arith.index_cast %parallel_loop3A_92 : i32 to index
      %parallel_loop3A_108 = arith.constant 32 : index
      %parallel_loop3A_109 = tpu.vector_load %arg7[%parallel_loop3A_107, %parallel_loop3A_108] {strides = array<i32>} : memref<200x128xi32, #tpu.memory_space<vmem>>, vector<16xi32>,
      %parallel_loop3A_110 = tpu.vector_load_idx %arg5[%parallel_loop3A_109] : memref<256xi32, #tpu.memory_space<vmem>>[vector<16xi32>], vector<16xi32>,
      %parallel_loop3A_111 = arith.index_cast %parallel_loop3A_92 : i32 to index
      %parallel_loop3A_112 = arith.constant 32 : index
      %parallel_loop3A_113 = tpu.vector_load %arg9[%parallel_loop3A_111, %parallel_loop3A_112] {strides = array<i32>} : memref<200x128xi32, #tpu.memory_space<vmem>>, vector<16xi32>,
      tpu.vector_store %arg9[%parallel_loop3A_111, %parallel_loop3A_112], %parallel_loop3A_110 {strides = array<i32>} : memref<200x128xi32, #tpu.memory_space<vmem>>, vector<16xi32>,
      %parallel_loop3A_114 = arith.index_cast %parallel_loop3A_92 : i32 to index
      %parallel_loop3A_115 = arith.constant 48 : index
      %parallel_loop3A_116 = tpu.vector_load %arg7[%parallel_loop3A_114, %parallel_loop3A_115] {strides = array<i32>} : memref<200x128xi32, #tpu.memory_space<vmem>>, vector<16xi32>,
      %parallel_loop3A_117 = tpu.vector_load_idx %arg5[%parallel_loop3A_116] : memref<256xi32, #tpu.memory_space<vmem>>[vector<16xi32>], vector<16xi32>,
      %parallel_loop3A_118 = arith.index_cast %parallel_loop3A_92 : i32 to index
      %parallel_loop3A_119 = arith.constant 48 : index
      %parallel_loop3A_120 = tpu.vector_load %arg9[%parallel_loop3A_118, %parallel_loop3A_119] {strides = array<i32>} : memref<200x128xi32, #tpu.memory_space<vmem>>, vector<16xi32>,
      tpu.vector_store %arg9[%parallel_loop3A_118, %parallel_loop3A_119], %parallel_loop3A_117 {strides = array<i32>} : memref<200x128xi32, #tpu.memory_space<vmem>>, vector<16xi32>,
      %parallel_loop3A_121 = arith.index_cast %parallel_loop3A_92 : i32 to index
      %parallel_loop3A_122 = arith.constant 64 : index
      %parallel_loop3A_123 = tpu.vector_load %arg7[%parallel_loop3A_121, %parallel_loop3A_122] {strides = array<i32>} : memref<200x128xi32, #tpu.memory_space<vmem>>, vector<16xi32>,
      %parallel_loop3A_124 = tpu.vector_load_idx %arg5[%parallel_loop3A_123] : memref<256xi32, #tpu.memory_space<vmem>>[vector<16xi32>], vector<16xi32>,
      %parallel_loop3A_125 = arith.index_cast %parallel_loop3A_92 : i32 to index
      %parallel_loop3A_126 = arith.constant 64 : index
      %parallel_loop3A_127 = tpu.vector_load %arg9[%parallel_loop3A_125, %parallel_loop3A_126] {strides = array<i32>} : memref<200x128xi32, #tpu.memory_space<vmem>>, vector<16xi32>,
      tpu.vector_store %arg9[%parallel_loop3A_125, %parallel_loop3A_126], %parallel_loop3A_124 {strides = array<i32>} : memref<200x128xi32, #tpu.memory_space<vmem>>, vector<16xi32>,
      %parallel_loop3A_128 = arith.index_cast %parallel_loop3A_92 : i32 to index
      %parallel_loop3A_129 = arith.constant 80 : index
      %parallel_loop3A_130 = tpu.vector_load %arg7[%parallel_loop3A_128, %parallel_loop3A_129] {strides = array<i32>} : memref<200x128xi32, #tpu.memory_space<vmem>>, vector<16xi32>,
      %parallel_loop3A_131 = tpu.vector_load_idx %arg5[%parallel_loop3A_130] : memref<256xi32, #tpu.memory_space<vmem>>[vector<16xi32>], vector<16xi32>,
      %parallel_loop3A_132 = arith.index_cast %parallel_loop3A_92 : i32 to index
      %parallel_loop3A_133 = arith.constant 80 : index
      %parallel_loop3A_134 = tpu.vector_load %arg9[%parallel_loop3A_132, %parallel_loop3A_133] {strides = array<i32>} : memref<200x128xi32, #tpu.memory_space<vmem>>, vector<16xi32>,
      tpu.vector_store %arg9[%parallel_loop3A_132, %parallel_loop3A_133], %parallel_loop3A_131 {strides = array<i32>} : memref<200x128xi32, #tpu.memory_space<vmem>>, vector<16xi32>,
      %parallel_loop3A_135 = arith.index_cast %parallel_loop3A_92 : i32 to index
      %parallel_loop3A_136 = arith.constant 96 : index
      %parallel_loop3A_137 = tpu.vector_load %arg7[%parallel_loop3A_135, %parallel_loop3A_136] {strides = array<i32>} : memref<200x128xi32, #tpu.memory_space<vmem>>, vector<16xi32>,
      %parallel_loop3A_138 = tpu.vector_load_idx %arg5[%parallel_loop3A_137] : memref<256xi32, #tpu.memory_space<vmem>>[vector<16xi32>], vector<16xi32>,
      %parallel_loop3A_139 = arith.index_cast %parallel_loop3A_92 : i32 to index
      %parallel_loop3A_140 = arith.constant 96 : index
      %parallel_loop3A_141 = tpu.vector_load %arg9[%parallel_loop3A_139, %parallel_loop3A_140] {strides = array<i32>} : memref<200x128xi32, #tpu.memory_space<vmem>>, vector<16xi32>,
      tpu.vector_store %arg9[%parallel_loop3A_139, %parallel_loop3A_140], %parallel_loop3A_138 {strides = array<i32>} : memref<200x128xi32, #tpu.memory_space<vmem>>, vector<16xi32>,
      %parallel_loop3A_142 = arith.index_cast %parallel_loop3A_92 : i32 to index
      %parallel_loop3A_143 = arith.constant 112 : index
      %parallel_loop3A_144 = tpu.vector_load %arg7[%parallel_loop3A_142, %parallel_loop3A_143] {strides = array<i32>} : memref<200x128xi32, #tpu.memory_space<vmem>>, vector<16xi32>,
      %parallel_loop3A_145 = tpu.vector_load_idx %arg5[%parallel_loop3A_144] : memref<256xi32, #tpu.memory_space<vmem>>[vector<16xi32>], vector<16xi32>,
      %parallel_loop3A_146 = arith.index_cast %parallel_loop3A_92 : i32 to index
      %parallel_loop3A_147 = arith.constant 112 : index
      %parallel_loop3A_148 = tpu.vector_load %arg9[%parallel_loop3A_146, %parallel_loop3A_147] {strides = array<i32>} : memref<200x128xi32, #tpu.memory_space<vmem>>, vector<16xi32>,
      tpu.vector_store %arg9[%parallel_loop3A_146, %parallel_loop3A_147], %parallel_loop3A_145 {strides = array<i32>} : memref<200x128xi32, #tpu.memory_space<vmem>>, vector<16xi32>,
    } {sc.loop_unroll_factor = 2 : i64, sc.parallel_access}
    %add3A_38 = arith.constant 128 : i32
    %add3A_39 = arith.addi %mul3A_2, %add3A_38 : i32
    %dma_start3A_40 = arith.constant 0 : i32
    %dma_start3A_41 = tpu.memref_slice %arg4[%dma_start3A_40, %add3A_39] : memref<200x16384xi32, #tpu.memory_space<hbm>> -> memref<200x128xi32, #tpu.memory_space<hbm>>
    %dma_start3A_42 = arith.constant 0 : i32
    %dma_start3A_43 = tpu.memref_slice %arg4[%dma_start3A_42, %add3A_39] : memref<200x16384xi32, #tpu.memory_space<hbm>> -> memref<200x128xi32, #tpu.memory_space<hbm>>
    tpu.enqueue_dma source(%arg9 : memref<200x128xi32, #tpu.memory_space<vmem>>) target(%dma_start3A_43 : memref<200x128xi32, #tpu.memory_space<hbm>>) target_semaphore(%arg13 : memref<!tpu.dma_semaphore, #tpu.memory_space<semaphore_mem>>)
    %add3A_44 = arith.constant 384 : i32
    %add3A_45 = arith.addi %mul3A_2, %add3A_44 : i32
    %dma_start3A_46 = arith.constant 0 : i32
    %dma_start3A_47 = tpu.memref_slice %arg2[%dma_start3A_46, %add3A_45] : memref<200x16384xi32, #tpu.memory_space<hbm>> -> memref<200x128xi32, #tpu.memory_space<hbm>>
    %dma_start3A_48 = arith.constant 0 : i32
    %dma_start3A_49 = tpu.memref_slice %arg2[%dma_start3A_48, %add3A_45] : memref<200x16384xi32, #tpu.memory_space<hbm>> -> memref<200x128xi32, #tpu.memory_space<hbm>>
    tpu.enqueue_dma source(%dma_start3A_49 : memref<200x128xi32, #tpu.memory_space<hbm>>) target(%arg7 : memref<200x128xi32, #tpu.memory_space<vmem>>) target_semaphore(%arg11 : memref<!tpu.dma_semaphore, #tpu.memory_space<semaphore_mem>>)
    %dma_wait3A_50 = arith.constant 0 : i32
    %dma_wait3A_51 = tpu.memref_slice %arg2[%dma_wait3A_50, %add3A_26] : memref<200x16384xi32, #tpu.memory_space<hbm>> -> memref<200x128xi32, #tpu.memory_space<hbm>>
    %dma_wait3A_52 = arith.constant 0 : i32
    %dma_wait3A_53 = tpu.memref_slice %arg2[%dma_wait3A_52, %add3A_26] : memref<200x16384xi32, #tpu.memory_space<hbm>> -> memref<200x128xi32, #tpu.memory_space<hbm>>
    tpu.wait_dma2 semaphore(%arg10 : memref<!tpu.dma_semaphore, #tpu.memory_space<semaphore_mem>>) src(%dma_wait3A_53 : memref<200x128xi32, #tpu.memory_space<hbm>>) dst(%arg6 : memref<200x128xi32, #tpu.memory_space<vmem>>)
    %dma_wait3A_54 = arith.constant 0 : i32
    %dma_wait3A_55 = tpu.memref_slice %arg4[%dma_wait3A_54, %add3A_20] : memref<200x16384xi32, #tpu.memory_space<hbm>> -> memref<200x128xi32, #tpu.memory_space<hbm>>
    %dma_wait3A_56 = arith.constant 0 : i32
    %dma_wait3A_57 = tpu.memref_slice %arg4[%dma_wait3A_56, %add3A_20] : memref<200x16384xi32, #tpu.memory_space<hbm>> -> memref<200x128xi32, #tpu.memory_space<hbm>>
    tpu.wait_dma2 semaphore(%arg12 : memref<!tpu.dma_semaphore, #tpu.memory_space<semaphore_mem>>) src(%arg8 : memref<200x128xi32, #tpu.memory_space<vmem>>) dst(%dma_wait3A_57 : memref<200x128xi32, #tpu.memory_space<hbm>>)
    %parallel_loop3A_58 = arith.constant 0 : i32
    %parallel_loop3A_59 = arith.constant 200 : i32
    %parallel_loop3A_60 = arith.constant 1 : i32
    scf.for %parallel_loop3A_92 = %parallel_loop3A_58 to %parallel_loop3A_59 step %parallel_loop3A_60  : i32 {
      %parallel_loop3A_93 = arith.index_cast %parallel_loop3A_92 : i32 to index
      %parallel_loop3A_94 = arith.constant 0 : index
      %parallel_loop3A_95 = tpu.vector_load %arg6[%parallel_loop3A_93, %parallel_loop3A_94] {strides = array<i32>} : memref<200x128xi32, #tpu.memory_space<vmem>>, vector<16xi32>,
      %parallel_loop3A_96 = tpu.vector_load_idx %arg5[%parallel_loop3A_95] : memref<256xi32, #tpu.memory_space<vmem>>[vector<16xi32>], vector<16xi32>,
      %parallel_loop3A_97 = arith.index_cast %parallel_loop3A_92 : i32 to index
      %parallel_loop3A_98 = arith.constant 0 : index
      %parallel_loop3A_99 = tpu.vector_load %arg8[%parallel_loop3A_97, %parallel_loop3A_98] {strides = array<i32>} : memref<200x128xi32, #tpu.memory_space<vmem>>, vector<16xi32>,
      tpu.vector_store %arg8[%parallel_loop3A_97, %parallel_loop3A_98], %parallel_loop3A_96 {strides = array<i32>} : memref<200x128xi32, #tpu.memory_space<vmem>>, vector<16xi32>,
      %parallel_loop3A_100 = arith.index_cast %parallel_loop3A_92 : i32 to index
      %parallel_loop3A_101 = arith.constant 16 : index
      %parallel_loop3A_102 = tpu.vector_load %arg6[%parallel_loop3A_100, %parallel_loop3A_101] {strides = array<i32>} : memref<200x128xi32, #tpu.memory_space<vmem>>, vector<16xi32>,
      %parallel_loop3A_103 = tpu.vector_load_idx %arg5[%parallel_loop3A_102] : memref<256xi32, #tpu.memory_space<vmem>>[vector<16xi32>], vector<16xi32>,
      %parallel_loop3A_104 = arith.index_cast %parallel_loop3A_92 : i32 to index
      %parallel_loop3A_105 = arith.constant 16 : index
      %parallel_loop3A_106 = tpu.vector_load %arg8[%parallel_loop3A_104, %parallel_loop3A_105] {strides = array<i32>} : memref<200x128xi32, #tpu.memory_space<vmem>>, vector<16xi32>,
      tpu.vector_store %arg8[%parallel_loop3A_104, %parallel_loop3A_105], %parallel_loop3A_103 {strides = array<i32>} : memref<200x128xi32, #tpu.memory_space<vmem>>, vector<16xi32>,
      %parallel_loop3A_107 = arith.index_cast %parallel_loop3A_92 : i32 to index
      %parallel_loop3A_108 = arith.constant 32 : index
      %parallel_loop3A_109 = tpu.vector_load %arg6[%parallel_loop3A_107, %parallel_loop3A_108] {strides = array<i32>} : memref<200x128xi32, #tpu.memory_space<vmem>>, vector<16xi32>,
      %parallel_loop3A_110 = tpu.vector_load_idx %arg5[%parallel_loop3A_109] : memref<256xi32, #tpu.memory_space<vmem>>[vector<16xi32>], vector<16xi32>,
      %parallel_loop3A_111 = arith.index_cast %parallel_loop3A_92 : i32 to index
      %parallel_loop3A_112 = arith.constant 32 : index
      %parallel_loop3A_113 = tpu.vector_load %arg8[%parallel_loop3A_111, %parallel_loop3A_112] {strides = array<i32>} : memref<200x128xi32, #tpu.memory_space<vmem>>, vector<16xi32>,
      tpu.vector_store %arg8[%parallel_loop3A_111, %parallel_loop3A_112], %parallel_loop3A_110 {strides = array<i32>} : memref<200x128xi32, #tpu.memory_space<vmem>>, vector<16xi32>,
      %parallel_loop3A_114 = arith.index_cast %parallel_loop3A_92 : i32 to index
      %parallel_loop3A_115 = arith.constant 48 : index
      %parallel_loop3A_116 = tpu.vector_load %arg6[%parallel_loop3A_114, %parallel_loop3A_115] {strides = array<i32>} : memref<200x128xi32, #tpu.memory_space<vmem>>, vector<16xi32>,
      %parallel_loop3A_117 = tpu.vector_load_idx %arg5[%parallel_loop3A_116] : memref<256xi32, #tpu.memory_space<vmem>>[vector<16xi32>], vector<16xi32>,
      %parallel_loop3A_118 = arith.index_cast %parallel_loop3A_92 : i32 to index
      %parallel_loop3A_119 = arith.constant 48 : index
      %parallel_loop3A_120 = tpu.vector_load %arg8[%parallel_loop3A_118, %parallel_loop3A_119] {strides = array<i32>} : memref<200x128xi32, #tpu.memory_space<vmem>>, vector<16xi32>,
      tpu.vector_store %arg8[%parallel_loop3A_118, %parallel_loop3A_119], %parallel_loop3A_117 {strides = array<i32>} : memref<200x128xi32, #tpu.memory_space<vmem>>, vector<16xi32>,
      %parallel_loop3A_121 = arith.index_cast %parallel_loop3A_92 : i32 to index
      %parallel_loop3A_122 = arith.constant 64 : index
      %parallel_loop3A_123 = tpu.vector_load %arg6[%parallel_loop3A_121, %parallel_loop3A_122] {strides = array<i32>} : memref<200x128xi32, #tpu.memory_space<vmem>>, vector<16xi32>,
      %parallel_loop3A_124 = tpu.vector_load_idx %arg5[%parallel_loop3A_123] : memref<256xi32, #tpu.memory_space<vmem>>[vector<16xi32>], vector<16xi32>,
      %parallel_loop3A_125 = arith.index_cast %parallel_loop3A_92 : i32 to index
      %parallel_loop3A_126 = arith.constant 64 : index
      %parallel_loop3A_127 = tpu.vector_load %arg8[%parallel_loop3A_125, %parallel_loop3A_126] {strides = array<i32>} : memref<200x128xi32, #tpu.memory_space<vmem>>, vector<16xi32>,
      tpu.vector_store %arg8[%parallel_loop3A_125, %parallel_loop3A_126], %parallel_loop3A_124 {strides = array<i32>} : memref<200x128xi32, #tpu.memory_space<vmem>>, vector<16xi32>,
      %parallel_loop3A_128 = arith.index_cast %parallel_loop3A_92 : i32 to index
      %parallel_loop3A_129 = arith.constant 80 : index
      %parallel_loop3A_130 = tpu.vector_load %arg6[%parallel_loop3A_128, %parallel_loop3A_129] {strides = array<i32>} : memref<200x128xi32, #tpu.memory_space<vmem>>, vector<16xi32>,
      %parallel_loop3A_131 = tpu.vector_load_idx %arg5[%parallel_loop3A_130] : memref<256xi32, #tpu.memory_space<vmem>>[vector<16xi32>], vector<16xi32>,
      %parallel_loop3A_132 = arith.index_cast %parallel_loop3A_92 : i32 to index
      %parallel_loop3A_133 = arith.constant 80 : index
      %parallel_loop3A_134 = tpu.vector_load %arg8[%parallel_loop3A_132, %parallel_loop3A_133] {strides = array<i32>} : memref<200x128xi32, #tpu.memory_space<vmem>>, vector<16xi32>,
      tpu.vector_store %arg8[%parallel_loop3A_132, %parallel_loop3A_133], %parallel_loop3A_131 {strides = array<i32>} : memref<200x128xi32, #tpu.memory_space<vmem>>, vector<16xi32>,
      %parallel_loop3A_135 = arith.index_cast %parallel_loop3A_92 : i32 to index
      %parallel_loop3A_136 = arith.constant 96 : index
      %parallel_loop3A_137 = tpu.vector_load %arg6[%parallel_loop3A_135, %parallel_loop3A_136] {strides = array<i32>} : memref<200x128xi32, #tpu.memory_space<vmem>>, vector<16xi32>,
      %parallel_loop3A_138 = tpu.vector_load_idx %arg5[%parallel_loop3A_137] : memref<256xi32, #tpu.memory_space<vmem>>[vector<16xi32>], vector<16xi32>,
      %parallel_loop3A_139 = arith.index_cast %parallel_loop3A_92 : i32 to index
      %parallel_loop3A_140 = arith.constant 96 : index
      %parallel_loop3A_141 = tpu.vector_load %arg8[%parallel_loop3A_139, %parallel_loop3A_140] {strides = array<i32>} : memref<200x128xi32, #tpu.memory_space<vmem>>, vector<16xi32>,
      tpu.vector_store %arg8[%parallel_loop3A_139, %parallel_loop3A_140], %parallel_loop3A_138 {strides = array<i32>} : memref<200x128xi32, #tpu.memory_space<vmem>>, vector<16xi32>,
      %parallel_loop3A_142 = arith.index_cast %parallel_loop3A_92 : i32 to index
      %parallel_loop3A_143 = arith.constant 112 : index
      %parallel_loop3A_144 = tpu.vector_load %arg6[%parallel_loop3A_142, %parallel_loop3A_143] {strides = array<i32>} : memref<200x128xi32, #tpu.memory_space<vmem>>, vector<16xi32>,
      %parallel_loop3A_145 = tpu.vector_load_idx %arg5[%parallel_loop3A_144] : memref<256xi32, #tpu.memory_space<vmem>>[vector<16xi32>], vector<16xi32>,
      %parallel_loop3A_146 = arith.index_cast %parallel_loop3A_92 : i32 to index
      %parallel_loop3A_147 = arith.constant 112 : index
      %parallel_loop3A_148 = tpu.vector_load %arg8[%parallel_loop3A_146, %parallel_loop3A_147] {strides = array<i32>} : memref<200x128xi32, #tpu.memory_space<vmem>>, vector<16xi32>,
      tpu.vector_store %arg8[%parallel_loop3A_146, %parallel_loop3A_147], %parallel_loop3A_145 {strides = array<i32>} : memref<200x128xi32, #tpu.memory_space<vmem>>, vector<16xi32>,
    } {sc.loop_unroll_factor = 2 : i64, sc.parallel_access}
    %add3A_61 = arith.constant 256 : i32
    %add3A_62 = arith.addi %mul3A_2, %add3A_61 : i32
    %dma_start3A_63 = arith.constant 0 : i32
    %dma_start3A_64 = tpu.memref_slice %arg4[%dma_start3A_63, %add3A_62] : memref<200x16384xi32, #tpu.memory_space<hbm>> -> memref<200x128xi32, #tpu.memory_space<hbm>>
    %dma_start3A_65 = arith.constant 0 : i32
    %dma_start3A_66 = tpu.memref_slice %arg4[%dma_start3A_65, %add3A_62] : memref<200x16384xi32, #tpu.memory_space<hbm>> -> memref<200x128xi32, #tpu.memory_space<hbm>>
    tpu.enqueue_dma source(%arg8 : memref<200x128xi32, #tpu.memory_space<vmem>>) target(%dma_start3A_66 : memref<200x128xi32, #tpu.memory_space<hbm>>) target_semaphore(%arg12 : memref<!tpu.dma_semaphore, #tpu.memory_space<semaphore_mem>>)
    %dma_wait3A_67 = arith.constant 0 : i32
    %dma_wait3A_68 = tpu.memref_slice %arg2[%dma_wait3A_67, %add3A_45] : memref<200x16384xi32, #tpu.memory_space<hbm>> -> memref<200x128xi32, #tpu.memory_space<hbm>>
    %dma_wait3A_69 = arith.constant 0 : i32
    %dma_wait3A_70 = tpu.memref_slice %arg2[%dma_wait3A_69, %add3A_45] : memref<200x16384xi32, #tpu.memory_space<hbm>> -> memref<200x128xi32, #tpu.memory_space<hbm>>
    tpu.wait_dma2 semaphore(%arg11 : memref<!tpu.dma_semaphore, #tpu.memory_space<semaphore_mem>>) src(%dma_wait3A_70 : memref<200x128xi32, #tpu.memory_space<hbm>>) dst(%arg7 : memref<200x128xi32, #tpu.memory_space<vmem>>)
    %dma_wait3A_71 = arith.constant 0 : i32
    %dma_wait3A_72 = tpu.memref_slice %arg4[%dma_wait3A_71, %add3A_39] : memref<200x16384xi32, #tpu.memory_space<hbm>> -> memref<200x128xi32, #tpu.memory_space<hbm>>
    %dma_wait3A_73 = arith.constant 0 : i32
    %dma_wait3A_74 = tpu.memref_slice %arg4[%dma_wait3A_73, %add3A_39] : memref<200x16384xi32, #tpu.memory_space<hbm>> -> memref<200x128xi32, #tpu.memory_space<hbm>>
    tpu.wait_dma2 semaphore(%arg13 : memref<!tpu.dma_semaphore, #tpu.memory_space<semaphore_mem>>) src(%arg9 : memref<200x128xi32, #tpu.memory_space<vmem>>) dst(%dma_wait3A_74 : memref<200x128xi32, #tpu.memory_space<hbm>>)
    %parallel_loop3A_75 = arith.constant 0 : i32
    %parallel_loop3A_76 = arith.constant 200 : i32
    %parallel_loop3A_77 = arith.constant 1 : i32
    scf.for %parallel_loop3A_92 = %parallel_loop3A_75 to %parallel_loop3A_76 step %parallel_loop3A_77  : i32 {
      %parallel_loop3A_93 = arith.index_cast %parallel_loop3A_92 : i32 to index
      %parallel_loop3A_94 = arith.constant 0 : index
      %parallel_loop3A_95 = tpu.vector_load %arg7[%parallel_loop3A_93, %parallel_loop3A_94] {strides = array<i32>} : memref<200x128xi32, #tpu.memory_space<vmem>>, vector<16xi32>,
      %parallel_loop3A_96 = tpu.vector_load_idx %arg5[%parallel_loop3A_95] : memref<256xi32, #tpu.memory_space<vmem>>[vector<16xi32>], vector<16xi32>,
      %parallel_loop3A_97 = arith.index_cast %parallel_loop3A_92 : i32 to index
      %parallel_loop3A_98 = arith.constant 0 : index
      %parallel_loop3A_99 = tpu.vector_load %arg9[%parallel_loop3A_97, %parallel_loop3A_98] {strides = array<i32>} : memref<200x128xi32, #tpu.memory_space<vmem>>, vector<16xi32>,
      tpu.vector_store %arg9[%parallel_loop3A_97, %parallel_loop3A_98], %parallel_loop3A_96 {strides = array<i32>} : memref<200x128xi32, #tpu.memory_space<vmem>>, vector<16xi32>,
      %parallel_loop3A_100 = arith.index_cast %parallel_loop3A_92 : i32 to index
      %parallel_loop3A_101 = arith.constant 16 : index
      %parallel_loop3A_102 = tpu.vector_load %arg7[%parallel_loop3A_100, %parallel_loop3A_101] {strides = array<i32>} : memref<200x128xi32, #tpu.memory_space<vmem>>, vector<16xi32>,
      %parallel_loop3A_103 = tpu.vector_load_idx %arg5[%parallel_loop3A_102] : memref<256xi32, #tpu.memory_space<vmem>>[vector<16xi32>], vector<16xi32>,
      %parallel_loop3A_104 = arith.index_cast %parallel_loop3A_92 : i32 to index
      %parallel_loop3A_105 = arith.constant 16 : index
      %parallel_loop3A_106 = tpu.vector_load %arg9[%parallel_loop3A_104, %parallel_loop3A_105] {strides = array<i32>} : memref<200x128xi32, #tpu.memory_space<vmem>>, vector<16xi32>,
      tpu.vector_store %arg9[%parallel_loop3A_104, %parallel_loop3A_105], %parallel_loop3A_103 {strides = array<i32>} : memref<200x128xi32, #tpu.memory_space<vmem>>, vector<16xi32>,
      %parallel_loop3A_107 = arith.index_cast %parallel_loop3A_92 : i32 to index
      %parallel_loop3A_108 = arith.constant 32 : index
      %parallel_loop3A_109 = tpu.vector_load %arg7[%parallel_loop3A_107, %parallel_loop3A_108] {strides = array<i32>} : memref<200x128xi32, #tpu.memory_space<vmem>>, vector<16xi32>,
      %parallel_loop3A_110 = tpu.vector_load_idx %arg5[%parallel_loop3A_109] : memref<256xi32, #tpu.memory_space<vmem>>[vector<16xi32>], vector<16xi32>,
      %parallel_loop3A_111 = arith.index_cast %parallel_loop3A_92 : i32 to index
      %parallel_loop3A_112 = arith.constant 32 : index
      %parallel_loop3A_113 = tpu.vector_load %arg9[%parallel_loop3A_111, %parallel_loop3A_112] {strides = array<i32>} : memref<200x128xi32, #tpu.memory_space<vmem>>, vector<16xi32>,
      tpu.vector_store %arg9[%parallel_loop3A_111, %parallel_loop3A_112], %parallel_loop3A_110 {strides = array<i32>} : memref<200x128xi32, #tpu.memory_space<vmem>>, vector<16xi32>,
      %parallel_loop3A_114 = arith.index_cast %parallel_loop3A_92 : i32 to index
      %parallel_loop3A_115 = arith.constant 48 : index
      %parallel_loop3A_116 = tpu.vector_load %arg7[%parallel_loop3A_114, %parallel_loop3A_115] {strides = array<i32>} : memref<200x128xi32, #tpu.memory_space<vmem>>, vector<16xi32>,
      %parallel_loop3A_117 = tpu.vector_load_idx %arg5[%parallel_loop3A_116] : memref<256xi32, #tpu.memory_space<vmem>>[vector<16xi32>], vector<16xi32>,
      %parallel_loop3A_118 = arith.index_cast %parallel_loop3A_92 : i32 to index
      %parallel_loop3A_119 = arith.constant 48 : index
      %parallel_loop3A_120 = tpu.vector_load %arg9[%parallel_loop3A_118, %parallel_loop3A_119] {strides = array<i32>} : memref<200x128xi32, #tpu.memory_space<vmem>>, vector<16xi32>,
      tpu.vector_store %arg9[%parallel_loop3A_118, %parallel_loop3A_119], %parallel_loop3A_117 {strides = array<i32>} : memref<200x128xi32, #tpu.memory_space<vmem>>, vector<16xi32>,
      %parallel_loop3A_121 = arith.index_cast %parallel_loop3A_92 : i32 to index
      %parallel_loop3A_122 = arith.constant 64 : index
      %parallel_loop3A_123 = tpu.vector_load %arg7[%parallel_loop3A_121, %parallel_loop3A_122] {strides = array<i32>} : memref<200x128xi32, #tpu.memory_space<vmem>>, vector<16xi32>,
      %parallel_loop3A_124 = tpu.vector_load_idx %arg5[%parallel_loop3A_123] : memref<256xi32, #tpu.memory_space<vmem>>[vector<16xi32>], vector<16xi32>,
      %parallel_loop3A_125 = arith.index_cast %parallel_loop3A_92 : i32 to index
      %parallel_loop3A_126 = arith.constant 64 : index
      %parallel_loop3A_127 = tpu.vector_load %arg9[%parallel_loop3A_125, %parallel_loop3A_126] {strides = array<i32>} : memref<200x128xi32, #tpu.memory_space<vmem>>, vector<16xi32>,
      tpu.vector_store %arg9[%parallel_loop3A_125, %parallel_loop3A_126], %parallel_loop3A_124 {strides = array<i32>} : memref<200x128xi32, #tpu.memory_space<vmem>>, vector<16xi32>,
      %parallel_loop3A_128 = arith.index_cast %parallel_loop3A_92 : i32 to index
      %parallel_loop3A_129 = arith.constant 80 : index
      %parallel_loop3A_130 = tpu.vector_load %arg7[%parallel_loop3A_128, %parallel_loop3A_129] {strides = array<i32>} : memref<200x128xi32, #tpu.memory_space<vmem>>, vector<16xi32>,
      %parallel_loop3A_131 = tpu.vector_load_idx %arg5[%parallel_loop3A_130] : memref<256xi32, #tpu.memory_space<vmem>>[vector<16xi32>], vector<16xi32>,
      %parallel_loop3A_132 = arith.index_cast %parallel_loop3A_92 : i32 to index
      %parallel_loop3A_133 = arith.constant 80 : index
      %parallel_loop3A_134 = tpu.vector_load %arg9[%parallel_loop3A_132, %parallel_loop3A_133] {strides = array<i32>} : memref<200x128xi32, #tpu.memory_space<vmem>>, vector<16xi32>,
      tpu.vector_store %arg9[%parallel_loop3A_132, %parallel_loop3A_133], %parallel_loop3A_131 {strides = array<i32>} : memref<200x128xi32, #tpu.memory_space<vmem>>, vector<16xi32>,
      %parallel_loop3A_135 = arith.index_cast %parallel_loop3A_92 : i32 to index
      %parallel_loop3A_136 = arith.constant 96 : index
      %parallel_loop3A_137 = tpu.vector_load %arg7[%parallel_loop3A_135, %parallel_loop3A_136] {strides = array<i32>} : memref<200x128xi32, #tpu.memory_space<vmem>>, vector<16xi32>,
      %parallel_loop3A_138 = tpu.vector_load_idx %arg5[%parallel_loop3A_137] : memref<256xi32, #tpu.memory_space<vmem>>[vector<16xi32>], vector<16xi32>,
      %parallel_loop3A_139 = arith.index_cast %parallel_loop3A_92 : i32 to index
      %parallel_loop3A_140 = arith.constant 96 : index
      %parallel_loop3A_141 = tpu.vector_load %arg9[%parallel_loop3A_139, %parallel_loop3A_140] {strides = array<i32>} : memref<200x128xi32, #tpu.memory_space<vmem>>, vector<16xi32>,
      tpu.vector_store %arg9[%parallel_loop3A_139, %parallel_loop3A_140], %parallel_loop3A_138 {strides = array<i32>} : memref<200x128xi32, #tpu.memory_space<vmem>>, vector<16xi32>,
      %parallel_loop3A_142 = arith.index_cast %parallel_loop3A_92 : i32 to index
      %parallel_loop3A_143 = arith.constant 112 : index
      %parallel_loop3A_144 = tpu.vector_load %arg7[%parallel_loop3A_142, %parallel_loop3A_143] {strides = array<i32>} : memref<200x128xi32, #tpu.memory_space<vmem>>, vector<16xi32>,
      %parallel_loop3A_145 = tpu.vector_load_idx %arg5[%parallel_loop3A_144] : memref<256xi32, #tpu.memory_space<vmem>>[vector<16xi32>], vector<16xi32>,
      %parallel_loop3A_146 = arith.index_cast %parallel_loop3A_92 : i32 to index
      %parallel_loop3A_147 = arith.constant 112 : index
      %parallel_loop3A_148 = tpu.vector_load %arg9[%parallel_loop3A_146, %parallel_loop3A_147] {strides = array<i32>} : memref<200x128xi32, #tpu.memory_space<vmem>>, vector<16xi32>,
      tpu.vector_store %arg9[%parallel_loop3A_146, %parallel_loop3A_147], %parallel_loop3A_145 {strides = array<i32>} : memref<200x128xi32, #tpu.memory_space<vmem>>, vector<16xi32>,
    } {sc.loop_unroll_factor = 2 : i64, sc.parallel_access}
    %add3A_78 = arith.constant 384 : i32
    %add3A_79 = arith.addi %mul3A_2, %add3A_78 : i32
    %dma_start3A_80 = arith.constant 0 : i32
    %dma_start3A_81 = tpu.memref_slice %arg4[%dma_start3A_80, %add3A_79] : memref<200x16384xi32, #tpu.memory_space<hbm>> -> memref<200x128xi32, #tpu.memory_space<hbm>>
    %dma_start3A_82 = arith.constant 0 : i32
    %dma_start3A_83 = tpu.memref_slice %arg4[%dma_start3A_82, %add3A_79] : memref<200x16384xi32, #tpu.memory_space<hbm>> -> memref<200x128xi32, #tpu.memory_space<hbm>>
    tpu.enqueue_dma source(%arg9 : memref<200x128xi32, #tpu.memory_space<vmem>>) target(%dma_start3A_83 : memref<200x128xi32, #tpu.memory_space<hbm>>) target_semaphore(%arg13 : memref<!tpu.dma_semaphore, #tpu.memory_space<semaphore_mem>>)
    %dma_wait3A_84 = arith.constant 0 : i32
    %dma_wait3A_85 = tpu.memref_slice %arg4[%dma_wait3A_84, %add3A_62] : memref<200x16384xi32, #tpu.memory_space<hbm>> -> memref<200x128xi32, #tpu.memory_space<hbm>>
    %dma_wait3A_86 = arith.constant 0 : i32
    %dma_wait3A_87 = tpu.memref_slice %arg4[%dma_wait3A_86, %add3A_62] : memref<200x16384xi32, #tpu.memory_space<hbm>> -> memref<200x128xi32, #tpu.memory_space<hbm>>
    tpu.wait_dma2 semaphore(%arg12 : memref<!tpu.dma_semaphore, #tpu.memory_space<semaphore_mem>>) src(%arg8 : memref<200x128xi32, #tpu.memory_space<vmem>>) dst(%dma_wait3A_87 : memref<200x128xi32, #tpu.memory_space<hbm>>)
    %dma_wait3A_88 = arith.constant 0 : i32
    %dma_wait3A_89 = tpu.memref_slice %arg4[%dma_wait3A_88, %add3A_79] : memref<200x16384xi32, #tpu.memory_space<hbm>> -> memref<200x128xi32, #tpu.memory_space<hbm>>
    %dma_wait3A_90 = arith.constant 0 : i32
    %dma_wait3A_91 = tpu.memref_slice %arg4[%dma_wait3A_90, %add3A_79] : memref<200x16384xi32, #tpu.memory_space<hbm>> -> memref<200x128xi32, #tpu.memory_space<hbm>>
    tpu.wait_dma2 semaphore(%arg13 : memref<!tpu.dma_semaphore, #tpu.memory_space<semaphore_mem>>) src(%arg9 : memref<200x128xi32, #tpu.memory_space<vmem>>) dst(%dma_wait3A_91 : memref<200x128xi32, #tpu.memory_space<hbm>>)
    return
  }
}

</mosaic_0001>

<sc_bundles>
// kernel: _lut_gather.3.cloned.1.call-start
scs
__scs_entry_jumppad:
0x0: {  	(pc) =	sbr.rel $0x88, $3  }
0x1: {  	(tag) =	ssettag $0x0;
	lr =	simm.s32 $0x1  }
0x2: {  	[smem:$0x3F9F] =	sst lr;
	_ =	strace $0xD0000000  }
0x3: {  	_ = 	snop  }
0x4: {  	_ = 	snop  }
0x5: {  	_ = 	snop  }
0x6: {  	_ = 	snop  }
0x7: {  	_ = 	snop  }
__scs_overlays_trampoline_lowered:
0x8: {  	[smem:$0x3FAE] =	sst s0  }
0x9: {  	[smem:$0x3FAF] =	sst s1  }
0xa: {  	[smem:$0x3FB0] =	sst s2  }
0xb: {  	[smem:$0x3FB1] =	sst s3  }
0xc: {  	[smem:$0x3FB2] =	sst s4  }
0xd: {  	[smem:$0x3FB3] =	sst s5  }
0xe: {  	[smem:$0x3FB4] =	sst s6  }
0xf: {  	[smem:$0x3FB5] =	sst s7  }
0x10: {  	[smem:$0x3FB6] =	sst s8  }
0x11: {  	[smem:$0x3FB7] =	sst s9;
	s0 =	simm.s32 @!p0 $0x0  }
0x12: {  	s1 =	sld [smem:$0x3F9D];
	s0 =	simm.s32 @p0 $0x1  }
0x13: {  	[smem:$0x3FB8] =	sst s0;
	s0 =	simm.s32 @!p1 $0x0  }
0x14: {  	s2 =	sld [smem:$0x3F9C];
	s0 =	simm.s32 @p1 $0x1  }
0x15: {  	[smem:$0x3FB9] =	sst s0;
	s0 =	simm.s32 @!p2 $0x0  }
0x16: {  	s3 =	sld [smem:$0x3FDB];
	s0 =	simm.s32 @p2 $0x1  }
0x17: {  	s4 =	simm.s32 $0x1BF5;
	[smem:$0x3FBB] =	sst s0  }
0x18: {  	s0 =	sld [smem:$0x3F9E];
	_ =	swait.ge [sflag:s4], $0x0  }
0x19: {  	s7 =	sld [smem:$0x3F9F]  }
0x1a: {  	s8 =	sadd.s32 $0xFFFFE003, lr  }
0x1b: {  	s9 =	sadd.s32 $0xFFFFFEF7, lr;
	s5 =	simm.s32 $0xFFFFFFFF;
	p2 =	slt.u32 s8, $0xFFFFF086  }
0x1c: {  	p1 =	slt.u32 s9, $0xF7A;
	s5 =	simm.s32 @!p2 $0x0  }
0x1d: {  	s5 =	simm.s32 @p1 $0x1;
	p0 =	seq.s32 s7, s2  }
0x1e: {  	s7 =	smul.u32 @!p0 $0xF7A, s2;
	p2 =	seq.s32 @!p0 s5, $0x0  }
0x1f: {  	s9 =	smul.u32 $0xF7A, s1;
	s8 =	simm.s32 @!p0 $0x1BF5;
	p2 =	por !p2, p0  }
0x20: {  	[sflag:s8] =	ssyncset.s32 @!p0 $0xFFFFF086;
	s6 =	sadd.s32 @!p0 s3, s7;
	s7 =	simm.s32 @!p0 $0x108  }
0x21: {  	s3 =	sadd.s32 s3, s9;
	s6 =	sadd.s32 @!p0 $0x88, s6;
	s7 =	simm.s32 @p2 $0x1082  }
0x22: {  	[simem:s7], [sflag:s8] =	dma.local @!p0 [hbm:s6], $0xF7A  }
0x23: {  	s9 =	sor.u32 $0xD0000000, s2;
	s6 =	simm.s32 $0x108;
	_ =	swait.ge @!p0 [sflag:s8], $0x0  }
0x24: {  	s3 =	sadd.s32 $0x88, s3;
	s6 =	simm.s32 @!p1 $0x1082;
	[sflag:s4] =	ssyncset.s32 $0xFFFFF086  }
0x25: {  	[simem:s6], [sflag:s4] =	dma.local [hbm:s3], $0xF7A  }
0x26: {  	[smem:$0x3F9F] =	sst s1;
	(tag) =	ssettag s2;
	_ =	strace s9  }
0x27: {  	s1 =	sld [smem:$0x3FAF]  }
0x28: {  	s2 =	sld [smem:$0x3FB0]  }
0x29: {  	s4 =	sld [smem:$0x3FB2]  }
0x2a: {  	p0 =	seq.s32 s5, $0x0;
	s5 =	sld [smem:$0x3FB3]  }
0x2b: {  	s6 =	sld [smem:$0x3FB4]  }
0x2c: {  	s7 =	sld [smem:$0x3FB5]  }
0x2d: {  	s3 =	simm.s32 $0x108;
	s8 =	sld [smem:$0x3FB6]  }
0x2e: {  	s3 =	simm.s32 @!p0 $0x1082;
	s9 =	sld [smem:$0x3FB7]  }
0x2f: {  	lr =	sadd.s32 s0, s3;
	s0 =	sld [smem:$0x3FAE]  }
0x30: {  	s3 =	sld [smem:$0x3FB1]  }
0x31: {  	[smem:$0x3FBA] =	sst s10  }
0x32: {  	s10 =	sld [smem:$0x3FB8];
	_ =	sdelay $0x3  }
0x33: {  	p0 =	seq.s32 s10, $0x1;
	s10 =	sld [smem:$0x3FBA];
	_ =	sdelay $0x3  }
0x34: {  	[smem:$0x3FBA] =	sst s10  }
0x35: {  	s10 =	sld [smem:$0x3FB9];
	_ =	sdelay $0x3  }
0x36: {  	p1 =	seq.s32 s10, $0x1;
	s10 =	sld [smem:$0x3FBA];
	_ =	sdelay $0x3  }
0x37: {  	[smem:$0x3FBA] =	sst s10  }
0x38: {  	s10 =	sld [smem:$0x3FBB]  }
0x39: {  	_ = 	snop;
	(pc) =	sbr.ind lr, $3  }
0x3a: {  	_ = 	snop  }
0x3b: {  	_ = 	snop  }
0x3c: {  	p2 =	seq.s32 s10, $0x1;
	s10 =	sld [smem:$0x3FBA]  }
0x3d: {  	_ =	shalt  }
0x3e: {  	_ =	shalt  }
0x3f: {  	_ =	shalt  }
0x40: {  	_ =	shalt  }
0x41: {  	_ =	shalt  }
0x42: {  	_ =	shalt  }
0x43: {  	_ =	shalt  }
0x44: {  	_ =	shalt  }
0x45: {  	_ =	shalt  }
0x46: {  	_ =	shalt  }
0x47: {  	_ =	shalt  }
0x48: {  	_ =	shalt  }
0x49: {  	_ =	shalt  }
0x4a: {  	_ =	shalt  }
0x4b: {  	_ =	shalt  }
0x4c: {  	_ =	shalt  }
0x4d: {  	_ =	shalt  }
0x4e: {  	_ =	shalt  }
0x4f: {  	_ =	shalt  }
0x50: {  	_ =	shalt  }
0x51: {  	_ =	shalt  }
0x52: {  	_ =	shalt  }
0x53: {  	_ =	shalt  }
0x54: {  	_ =	shalt  }
0x55: {  	_ =	shalt  }
0x56: {  	_ =	shalt  }
0x57: {  	_ =	shalt  }
0x58: {  	_ =	shalt  }
0x59: {  	_ =	shalt  }
0x5a: {  	_ =	shalt  }
0x5b: {  	_ =	shalt  }
0x5c: {  	_ =	shalt  }
0x5d: {  	_ =	shalt  }
0x5e: {  	_ =	shalt  }
0x5f: {  	_ =	shalt  }
0x60: {  	_ =	shalt  }
0x61: {  	_ =	shalt  }
0x62: {  	_ =	shalt  }
0x63: {  	_ =	shalt  }
0x64: {  	_ =	shalt  }
0x65: {  	_ =	shalt  }
0x66: {  	_ =	shalt  }
0x67: {  	_ =	shalt  }
0x68: {  	_ =	shalt  }
0x69: {  	_ =	shalt  }
0x6a: {  	_ =	shalt  }
0x6b: {  	_ =	shalt  }
0x6c: {  	_ =	shalt  }
0x6d: {  	_ =	shalt  }
0x6e: {  	_ =	shalt  }
0x6f: {  	_ =	shalt  }
0x70: {  	_ =	shalt  }
0x71: {  	_ =	shalt  }
0x72: {  	_ =	shalt  }
0x73: {  	_ =	shalt  }
0x74: {  	_ =	shalt  }
0x75: {  	_ =	shalt  }
0x76: {  	_ =	shalt  }
0x77: {  	_ =	shalt  }
0x78: {  	_ =	shalt  }
0x79: {  	_ =	shalt  }
0x7a: {  	_ =	shalt  }
0x7b: {  	_ =	shalt  }
0x7c: {  	_ =	shalt  }
0x7d: {  	_ =	shalt  }
0x7e: {  	_ =	shalt  }
0x7f: {  	_ =	shalt  }
0x80: {  	_ =	shalt  }
0x81: {  	_ =	shalt  }
0x82: {  	_ =	shalt  }
0x83: {  	_ =	shalt  }
0x84: {  	_ =	shalt  }
0x85: {  	_ =	shalt  }
0x86: {  	_ =	shalt  }
0x87: {  	_ =	shalt  }
.Lfunc_end0:
.L_simem_size_0:
called_computation_lowered:
.L_overlay_start_0:
0x88: {  	s2 =	sld [smem:$0x3FD9]  }
0x89: {  	s3 =	sld [smem:$0x3FFE];
	_ =	sdelay $0x1  }
0x8a: {  	s1 =	srdreg.scid  }
0x8b: {  	s0 =	sand.u32 $0x1, s1  }
0x8c: {  	s18 =	sshll.u32 s0, $0xA;
	s2 =	sadd.s32 s3, s2  }
0x8d: {  	s2 =	sadd.s32 s2, s18  }
0x8e: {  	[smem:$0x3FC6] =	sst s2  }
0x8f: {  	_ = 	snop  }
0x90: {  	s2 =	sld [smem:$0x3FC9]  }
0x91: {  	s19 =	sld [smem:$0x3FC8]  }
0x92: {  	s4 =	sld [smem:$0x3FD0];
	(tm) =	ssettm $0x1  }
0x93: {  	s5 =	sld [smem:$0x3FFB];
	_ =	sdelay $0x3  }
0x94: {  	_ =	strace s5  }
0x95: {  	s5 =	sld [smem:$0x3FFC];
	_ =	sdelay $0x3  }
0x96: {  	_ =	strace s5  }
0x97: {  	s5 =	sld [smem:$0x3FFD];
	_ =	sdelay $0x3  }
0x98: {  	_ =	strace s5  }
0x99: {  	_ =	strace $0x8FFFFFFF  }
0x9a: {  	s20 =	sld [smem:$0x3FDB];
	_ =	sdelay $0x1  }
0x9b: {  	s6 =	simm.s32 $_scs_section_size  }
0x9c: {  	s7 =	simm.s32 $_size__tile_overlayer_lowered;
	s8 =	simm.s32 $_tile_overlayer_lowered  }
0x9d: {  	s23 =	simm.s32 $0x1BFF;
	s22 =	sshll.u32 s8, $0x1;
	s5 =	sadd.s32 s6, s20  }
0x9e: {  	s9 =	simm.s32 $0x0;
	s21 =	sshll.u32 s7, $0x1;
	s7 =	sadd.s32 s22, s5  }
0x9f: {  	[timem:s9], [sflag:s23] =	dma.local [hbm:s7], s21  }
0xa0: {  	_ =	swait.ge [sflag:s23], s21  }
0xa1: {  	s6 =	ssub.s32 $0x0, s21;
	[sflag:s23] =	ssyncset.done $0x0  }
0xa2: {  	[sflag:s23] =	ssyncadd.s32 s6;
	_ =	sdelay $0x1  }
0xa3: {  	s24 =	simm.s32 $0x1B8B  }
0xa4: {  	_ =	swait.ge [sflag:s24], $0x1  }
0xa5: {  	[sflag:s24] =	ssyncset.done $0x0  }
0xa6: {  	s25 =	simm.s32 $0x1B8E;
	[sflag:s24] =	ssyncadd.s32 $0xFFFFFFFF  }
0xa7: {  	s26 =	simm.s32 $execute0_lowered;
	[smem:$0x3FD2] =	sst s25  }
0xa8: {  	s6 =	sshll.u32 s26, $0x1;
	_ =	strace $0x80000046;
	[dreg:$0x1] =	wrdreg $0xFFFFFFFF  }
0xa9: {  	s28 =	simm.s32 $_size_execute0_lowered;
	s5 =	sadd.s32 s5, s6;
	[dreg:$0x0] =	wrdreg $0x0  }
0xaa: {  	s6 =	sshll.u32 s28, $0x1;
	[dreg:$0x2] =	wrdreg s5  }
0xab: {  	[dreg:$0x3] =	wrdreg s6  }
0xac: {  	[dreg:$0x4] =	wrdreg $0xC0  }
0xad: {  	_ =	task [dreg:s9], $0x5FFFF  }
0xae: {  	[dreg:$0x1] =	wrdreg $0xFFFFFFFF  }
0xaf: {  	[dreg:$0x0] =	wrdreg $0x60  }
0xb0: {  	[dreg:$0x2] =	wrdreg s2  }
0xb1: {  	[dreg:$0x3] =	wrdreg s19  }
0xb2: {  	[dreg:$0x4] =	wrdreg s4  }
0xb3: {  	[dreg:$0x5] =	wrdreg $0x9  }
0xb4: {  	_ =	task.clear_ibuf [dreg:s9], $0x6FFFF;
	_ =	strace $0x90000046  }
0xb5: {  	s29 =	simm.s32 $0x9;
	_ =	strace $0x80000048  }
0xb6: {  	_ =	swait.ge [sflag:s29], $0x1  }
0xb7: {  	[sflag:s29] =	ssyncadd.s32 $0xFFFFFFFF  }
0xb8: {  	_ =	strace $0x90000048  }
0xb9: {  	_ =	sfence  }
0xba: {  	s30 =	sld [smem:$0x0];
	_ =	sdelay $0x2  }
0xbb: {  	s31 =	sshll.u32 s1, $0xD;
	s1 =	sshrl.u32 s1, $0x2  }
0xbc: {  	s3 =	sand.u32 $0x4000, s31;
	s1 =	sadd.s32 s1, s30  }
0xbd: {  	s0 =	sor.u32 s3, s0;
	s1 =	sshll.u32 s1, $0x11  }
0xbe: {  	s0 =	sor.u32 s1, s0  }
0xbf: {  	s0 =	sadd.s32 $0x8F2B, s0  }
0xc0: {  	[sflag:s0] =	ssyncadd.remote.s32 $0x1  }
0xc1: {  	_ =	sfence.sel $0xFFFF  }
0xc2: {  	[dreg:$0x0] =	wrdreg $0xFFFFFFFF;
	(pc) =	sbr.abs _section_cstart, $3  }
0xc3: {  	[dreg:$0x1] =	wrdreg $0xFFFFFFFF  }
0xc4: {  	_ =	task.clear_ibuf [dreg:s9], $0x2FFFF;
	_ =	strace $0x9FFFFFFF  }
0xc5: {  	(tm) =	ssettm $0x7FFFFFFF  }
tec
execute0_lowered:
.L_overlay_start_1:
0x0: {  	(tag) =	ssettag $0x1  }
0x1: {  	s0 =	rddreg [dreg:$0x0]  }
0x2: {  	s1 =	rddreg [dreg:$0x2]  }
0x3: {  	s2 =	srdreg.scid;
	s4 =	stileid.u32  }
0x4: {  	s3 =	simm.s32 $0x0;
	s13 =	simm.s32 $0x5;
	s14 =	simm.s32 $0x400  }
0x5: {  	s15 =	simm.s32 $0x20000;
	s17 =	simm.s32 $0x6500;
	s18 =	simm.s32 $0x1  }
0x6: {  	s19 =	simm.s32 $0xC900;
	s20 =	simm.s32 $0x2;
	s21 =	simm.s32 $0x12D00  }
0x7: {  	s22 =	simm.s32 $0x3;
	s23 =	simm.s32 $0x4;
	s2 =	sand.u32 $0x1, s2  }
0x8: {  	s24 =	simm.s32 $0x0;
	s4 =	sshll.u32 s4, $0xA;
	s5 =	sshll.u32 s2, $0x9  }
0x9: {  	[smem:$0x7FF] =	sst s3;
	s2 =	ssub.s32 $0x2, s2;
	s7 =	sor.u32 s5, s4  }
0xa: {  	_ =	strace $0x80000047;
	s31 =	sshrl.u32 s2, $0x1;
	s8 =	sor.u32 $0x80, s7  }
0xb: {  	s2 =	ssub.s32 s2, s31;
	s4 =	sadd.s32 s0, s7;
	s6 =	sadd.s32 s1, s7  }
0xc: {  	s10 =	sor.u32 $0x100, s7;
	s11 =	sor.u32 $0x180, s7;
	s5 =	sadd.s32 s0, s8  }
0xd: {  	s7 =	sadd.s32 s0, s10;
	s8 =	sadd.s32 s1, s8;
	s9 =	sadd.s32 s0, s11  }
0xe: {  	s10 =	sadd.s32 s1, s10;
	s11 =	sadd.s32 s1, s11;
	s12 =	smax.u32 s2, $0x1  }
.LBB2_1:
0xf: {  	s0 =	rddreg [dreg:$0x1]  }
0x10: {  	[tilespmem:s3], [sflag:$0x5] =	stream.linear.gather [hbm4b:s0+s3], $0x100, $0x38;
	[tilespmem:$0x19100] =	vst v63  }
0x11: {  	_ =	swait.ge [sflag:s13], $0x100  }
0x12: {  	[sflag:s13] =	ssyncset.done $0x0  }
0x13: {  	s26 =	simm.s32 $0x100;
	[sflag:s13] =	ssyncadd.s32 $0xFFFFFF00  }
0x14: {  	[tilespmem:s26], [sflag:$0x1] =	stream.strided.gather [hbm4b:s4+s14], $0x6400, s15, s14, $0x38;
	[tilespmem:$0x19100] =	vst v63  }
0x15: {  	_ = 	snop  }
0x16: {  	[tilespmem:s17], [sflag:$0x2] =	stream.strided.gather [hbm4b:s5+s14], $0x6400, s15, s14, $0x38;
	[tilespmem:$0x19100] =	vst v63  }
0x17: {  	_ =	swait.ge [sflag:s18], $0x6400  }
0x18: {  	[sflag:s18] =	ssyncset.done $0x0  }
0x19: {  	s1 =	simm.s32 $0x180;
	[sflag:s18] =	ssyncadd.s32 $0xFFFF9C00  }
0x1a: {  	v0 =	vld [tilespmem:s1+$0x0];
	_ =	sdelay $0x1  }
0x1b: {  	v1 =	vld [tilespmem:s1+$0xFFFFFF80];
	_ =	sdelay $0x5  }
0x1c: {  	v0 =	vld.idx.msk [tilespmem:v0+s3+$0x0], $0xffff;
	_ =	sdelay $0x1  }
0x1d: {  	v1 =	vld.idx.msk [tilespmem:v1+s3+$0x0], $0xffff;
	_ =	sdelay $0x1  }
0x1e: {  	s25 =	simm.s32 $0xC980  }
0x1f: {  	[tilespmem:s25+$0x0] =	vst v0  }
0x20: {  	v0 =	vld [tilespmem:s1+$0x10]  }
0x21: {  	[tilespmem:s25+$0xFFFFFF80] =	vst v1  }
0x22: {  	v1 =	vld [tilespmem:s1+$0xFFFFFF90];
	_ =	sdelay $0x3  }
0x23: {  	s28 =	simm.s32 $0x280  }
0x24: {  	v2 =	vld [tilespmem:s28+$0x0]  }
0x25: {  	v0 =	vld.idx.msk [tilespmem:v0+s3+$0x0], $0xffff;
	_ =	sdelay $0x1  }
0x26: {  	v1 =	vld.idx.msk [tilespmem:v1+s3+$0x0], $0xffff;
	_ =	sdelay $0x2  }
0x27: {  	[tilespmem:s25+$0x10] =	vst v0  }
0x28: {  	v0 =	vld [tilespmem:s1+$0x20]  }
0x29: {  	[tilespmem:s25+$0xFFFFFF90] =	vst v1;
	v1 =	vld.idx.msk [tilespmem:v2+s3+$0x0], $0xffff  }
0x2a: {  	v3 =	vld [tilespmem:s28+$0xFFFFFF80];
	_ =	sdelay $0x1  }
0x2b: {  	v2 =	vld [tilespmem:s1+$0xFFFFFFA0]  }
0x2c: {  	s26 =	simm.s32 $0xCA80  }
0x2d: {  	[tilespmem:s26+$0x0] =	vst v1  }
0x2e: {  	v1 =	vld [tilespmem:s28+$0x10]  }
0x2f: {  	v0 =	vld.idx.msk [tilespmem:v0+s3+$0x0], $0xffff;
	_ =	sdelay $0x1  }
0x30: {  	v3 =	vld.idx.msk [tilespmem:v3+s3+$0x0], $0xffff;
	_ =	sdelay $0x1  }
0x31: {  	v2 =	vld.idx.msk [tilespmem:v2+s3+$0x0], $0xffff  }
0x32: {  	[tilespmem:s25+$0x20] =	vst v0  }
0x33: {  	v0 =	vld [tilespmem:s1+$0x30]  }
0x34: {  	[tilespmem:s26+$0xFFFFFF80] =	vst v3;
	v1 =	vld.idx.msk [tilespmem:v1+s3+$0x0], $0xffff  }
0x35: {  	v3 =	vld [tilespmem:s28+$0xFFFFFF90]  }
0x36: {  	[tilespmem:s25+$0xFFFFFFA0] =	vst v2  }
0x37: {  	v2 =	vld [tilespmem:s1+$0xFFFFFFB0];
	_ =	sdelay $0x1  }
0x38: {  	[tilespmem:s26+$0x10] =	vst v1  }
0x39: {  	v1 =	vld [tilespmem:s28+$0x20]  }
0x3a: {  	s29 =	simm.s32 $0x380;
	v0 =	vld.idx.msk [tilespmem:v0+s3+$0x0], $0xffff  }
0x3b: {  	v4 =	vld [tilespmem:s29+$0x0]  }
0x3c: {  	v3 =	vld.idx.msk [tilespmem:v3+s3+$0x0], $0xffff  }
0x3d: {  	v5 =	vld [tilespmem:s29+$0xFFFFFF80]  }
0x3e: {  	v2 =	vld.idx.msk [tilespmem:v2+s3+$0x0], $0xffff  }
0x3f: {  	[tilespmem:s25+$0x30] =	vst v0  }
0x40: {  	v0 =	vld [tilespmem:s1+$0x40]  }
0x41: {  	[tilespmem:s26+$0xFFFFFF90] =	vst v3;
	v1 =	vld.idx.msk [tilespmem:v1+s3+$0x0], $0xffff  }
0x42: {  	v3 =	vld [tilespmem:s28+$0xFFFFFFA0]  }
0x43: {  	v4 =	vld.idx.msk [tilespmem:v4+s3+$0x0], $0xffff;
	[tilespmem:s25+$0xFFFFFFB0] =	vst v2  }
0x44: {  	v2 =	vld [tilespmem:s1+$0xFFFFFFC0]  }
0x45: {  	s31 =	simm.s32 $0x480;
	v5 =	vld.idx.msk [tilespmem:v5+s3+$0x0], $0xffff  }
0x46: {  	v6 =	vld [tilespmem:s31+$0x0];
	[tilespmem:s26+$0x20] =	vst v1  }
0x47: {  	s30 =	simm.s32 $0xCB80;
	v1 =	vld [tilespmem:s28+$0x30]  }
0x48: {  	[tilespmem:s30+$0x0] =	vst v4;
	v0 =	vld.idx.msk [tilespmem:v0+s3+$0x0], $0xffff  }
0x49: {  	v4 =	vld [tilespmem:s29+$0x10]  }
0x4a: {  	[tilespmem:s30+$0xFFFFFF80] =	vst v5;
	v3 =	vld.idx.msk [tilespmem:v3+s3+$0x0], $0xffff  }
0x4b: {  	v5 =	vld [tilespmem:s29+$0xFFFFFF90]  }
0x4c: {  	v2 =	vld.idx.msk [tilespmem:v2+s3+$0x0], $0xffff  }
0x4d: {  	v7 =	vld [tilespmem:s31+$0xFFFFFF80];
	[tilespmem:s25+$0x40] =	vst v0  }
0x4e: {  	v0 =	vld [tilespmem:s1+$0x50]  }
0x4f: {  	[tilespmem:s26+$0xFFFFFFA0] =	vst v3;
	v1 =	vld.idx.msk [tilespmem:v1+s3+$0x0], $0xffff  }
0x50: {  	v3 =	vld [tilespmem:s28+$0xFFFFFFB0]  }
0x51: {  	v4 =	vld.idx.msk [tilespmem:v4+s3+$0x0], $0xffff;
	[tilespmem:s25+$0xFFFFFFC0] =	vst v2  }
0x52: {  	v2 =	vld [tilespmem:s1+$0xFFFFFFD0]  }
0x53: {  	v5 =	vld.idx.msk [tilespmem:v5+s3+$0x0], $0xffff  }
0x54: {  	v6 =	vld.idx.msk [tilespmem:v6+s3+$0x0], $0xffff;
	[tilespmem:s26+$0x30] =	vst v1  }
0x55: {  	v1 =	vld [tilespmem:s28+$0x40]  }
0x56: {  	[tilespmem:s30+$0x10] =	vst v4;
	v0 =	vld.idx.msk [tilespmem:v0+s3+$0x0], $0xffff  }
0x57: {  	v4 =	vld [tilespmem:s29+$0x20]  }
0x58: {  	[tilespmem:s30+$0xFFFFFF90] =	vst v5;
	v3 =	vld.idx.msk [tilespmem:v3+s3+$0x0], $0xffff  }
0x59: {  	v5 =	vld [tilespmem:s29+$0xFFFFFFA0]  }
0x5a: {  	v2 =	vld.idx.msk [tilespmem:v2+s3+$0x0], $0xffff  }
0x5b: {  	v7 =	vld.idx.msk [tilespmem:v7+s3+$0x0], $0xffff;
	[tilespmem:s25+$0x50] =	vst v0  }
0x5c: {  	v0 =	vld [tilespmem:s1+$0x60]  }
0x5d: {  	s0 =	simm.s32 $0xCC80;
	[tilespmem:s26+$0xFFFFFFB0] =	vst v3;
	v1 =	vld.idx.msk [tilespmem:v1+s3+$0x0], $0xffff  }
0x5e: {  	[tilespmem:s0+$0x0] =	vst v6;
	v3 =	vld [tilespmem:s28+$0xFFFFFFC0]  }
0x5f: {  	[tilespmem:s25+$0xFFFFFFD0] =	vst v2;
	v2 =	vld.idx.msk [tilespmem:v4+s3+$0x0], $0xffff  }
0x60: {  	v6 =	vld [tilespmem:s31+$0x10]  }
0x61: {  	v4 =	vld [tilespmem:s1+$0xFFFFFFE0]  }
0x62: {  	v5 =	vld.idx.msk [tilespmem:v5+s3+$0x0], $0xffff;
	[tilespmem:s26+$0x40] =	vst v1  }
0x63: {  	v1 =	vld [tilespmem:s28+$0x50]  }
0x64: {  	[tilespmem:s30+$0x20] =	vst v2;
	v0 =	vld.idx.msk [tilespmem:v0+s3+$0x0], $0xffff  }
0x65: {  	v2 =	vld [tilespmem:s29+$0x30]  }
0x66: {  	[tilespmem:s0+$0xFFFFFF80] =	vst v7;
	v3 =	vld.idx.msk [tilespmem:v3+s3+$0x0], $0xffff  }
0x67: {  	v8 =	vld [tilespmem:s31+$0xFFFFFF90];
	[tilespmem:s30+$0xFFFFFFA0] =	vst v5  }
0x68: {  	v9 =	vld [tilespmem:s29+$0xFFFFFFB0]  }
0x69: {  	v4 =	vld.idx.msk [tilespmem:v4+s3+$0x0], $0xffff;
	[tilespmem:s25+$0x60] =	vst v0  }
0x6a: {  	v0 =	vld [tilespmem:s1+$0x70]  }
0x6b: {  	[tilespmem:s26+$0xFFFFFFC0] =	vst v3;
	v1 =	vld.idx.msk [tilespmem:v1+s3+$0x0], $0xffff  }
0x6c: {  	v10 =	vld [tilespmem:s28+$0xFFFFFFD0]  }
0x6d: {  	v2 =	vld.idx.msk [tilespmem:v2+s3+$0x0], $0xffff  }
0x6e: {  	[tilespmem:s25+$0xFFFFFFE0] =	vst v4;
	v4 =	vld.idx.msk [tilespmem:v6+s3+$0x0], $0xffff;
	_ =	sdelay $0x1  }
0x6f: {  	v5 =	vld.idx.msk [tilespmem:v8+s3+$0x0], $0xffff;
	[tilespmem:s26+$0x50] =	vst v1  }
0x70: {  	v1 =	vld [tilespmem:s28+$0x60]  }
0x71: {  	[tilespmem:s30+$0x30] =	vst v2;
	v7 =	vld.idx.msk [tilespmem:v0+s3+$0x0], $0xffff  }
0x72: {  	[tilespmem:s0+$0x10] =	vst v4;
	v4 =	vld.idx.msk [tilespmem:v9+s3+$0x0], $0xffff  }
0x73: {  	v3 =	vld [tilespmem:s29+$0x40]  }
0x74: {  	v2 =	vld.idx.msk [tilespmem:v10+s3+$0x0], $0xffff  }
0x75: {  	v6 =	vld [tilespmem:s31+$0x20]  }
0x76: {  	s2 =	simm.s32 $0x580;
	v0 =	vld [tilespmem:s1+$0xFFFFFFF0];
	s1 =	simm.s32 $0x6;
	[tilespmem:s25+$0x70] =	vst v7  }
.LBB2_2:
0x77: {  	v7 =	vld [tilespmem:s2+$0x0];
	s1 =	sadd.s32 $0x2, s1;
	s16 =	smov.u32 s30;
	s30 =	smov.u32 s0  }
0x78: {  	v8 =	vld [tilespmem:s2+$0xFFFFFF80];
	p0 =	slt.u32 s1, $0xC6;
	[tilespmem:s0+$0xFFFFFF90] =	vst v5  }
0x79: {  	v1 =	vld.idx.msk [tilespmem:v1+s3+$0x0], $0xffff  }
0x7a: {  	v5 =	vld [tilespmem:s31+$0xFFFFFFA0];
	[tilespmem:s16+$0xFFFFFFB0] =	vst v4  }
0x7b: {  	v3 =	vld.idx.msk [tilespmem:v3+s3+$0x0], $0xffff  }
0x7c: {  	v4 =	vld [tilespmem:s29+$0xFFFFFFC0];
	[tilespmem:s26+$0xFFFFFFD0] =	vst v2  }
0x7d: {  	v2 =	vld.idx.msk [tilespmem:v6+s3+$0x0], $0xffff  }
0x7e: {  	v6 =	vld [tilespmem:s28+$0xFFFFFFE0]  }
0x7f: {  	v7 =	vld.idx.msk [tilespmem:v7+s3+$0x0], $0xffff;
	[tilespmem:s26+$0x60] =	vst v1  }
0x80: {  	v1 =	vld [tilespmem:s28+$0x70]  }
0x81: {  	v8 =	vld.idx.msk [tilespmem:v8+s3+$0x0], $0xffff;
	[tilespmem:s16+$0x40] =	vst v3  }
0x82: {  	v3 =	vld [tilespmem:s29+$0x50]  }
0x83: {  	v5 =	vld.idx.msk [tilespmem:v5+s3+$0x0], $0xffff;
	[tilespmem:s0+$0x20] =	vst v2  }
0x84: {  	s0 =	sadd.s32 $0x100, s0;
	v2 =	vld [tilespmem:s31+$0x30]  }
0x85: {  	[tilespmem:s0+$0x0] =	vst v7;
	v4 =	vld.idx.msk [tilespmem:v4+s3+$0x0], $0xffff  }
0x86: {  	v7 =	vld [tilespmem:s2+$0x10]  }
0x87: {  	[tilespmem:s0+$0xFFFFFF80] =	vst v8;
	v6 =	vld.idx.msk [tilespmem:v6+s3+$0x0], $0xffff  }
0x88: {  	v1 =	vld.idx.msk [tilespmem:v1+s3+$0x0], $0xffff  }
0x89: {  	v8 =	vld [tilespmem:s2+$0xFFFFFF90];
	[tilespmem:s30+$0xFFFFFFA0] =	vst v5  }
0x8a: {  	v3 =	vld.idx.msk [tilespmem:v3+s3+$0x0], $0xffff  }
0x8b: {  	v9 =	vld [tilespmem:s31+$0xFFFFFFB0];
	[tilespmem:s16+$0xFFFFFFC0] =	vst v4  }
0x8c: {  	v2 =	vld.idx.msk [tilespmem:v2+s3+$0x0], $0xffff  }
0x8d: {  	v10 =	vld [tilespmem:s29+$0xFFFFFFD0];
	[tilespmem:s26+$0xFFFFFFE0] =	vst v6  }
0x8e: {  	v4 =	vld.idx.msk [tilespmem:v7+s3+$0x0], $0xffff;
	[tilespmem:s26+$0x70] =	vst v1  }
0x8f: {  	v6 =	vld [tilespmem:s28+$0xFFFFFFF0];
	s28 =	smov.u32 s29;
	s29 =	smov.u32 s31;
	s31 =	smov.u32 s2  }
0x90: {  	[tilespmem:s16+$0x50] =	vst v3;
	v7 =	vld.idx.msk [tilespmem:v0+s3+$0x0], $0xffff  }
0x91: {  	v1 =	vld [tilespmem:s28+$0x60]  }
.Ltmp0:
0x92: {  	v5 =	vld.idx.msk [tilespmem:v8+s3+$0x0], $0xffff;
	[tilespmem:s30+$0x30] =	vst v2;
	(pc) =	sbr.rel @p0 .LBB2_2-.Ltmp0, $4  }
0x93: {  	v3 =	vld [tilespmem:s29+$0x40]  }
0x94: {  	[tilespmem:s0+$0x10] =	vst v4;
	v4 =	vld.idx.msk [tilespmem:v9+s3+$0x0], $0xffff;
	v0 =	vmov v6  }
0x95: {  	v6 =	vld [tilespmem:s2+$0x20]  }
0x96: {  	s2 =	sadd.s32 $0x100, s2;
	v2 =	vld.idx.msk [tilespmem:v10+s3+$0x0], $0xffff;
	[tilespmem:s25+$0xFFFFFFF0] =	vst v7;
	s25 =	smov.u32 s26;
	s26 =	smov.u32 s16  }
0x97: {  	[tilespmem:s0+$0xFFFFFF90] =	vst v5  }
0x98: {  	v5 =	vld [tilespmem:s31+$0xFFFFFFA0];
	_ =	sdelay $0x6  }
0x99: {  	v6 =	vld.idx.msk [tilespmem:v6+s3+$0x0], $0xffff  }
0x9a: {  	v5 =	vld.idx.msk [tilespmem:v5+s3+$0x0], $0xffff;
	_ =	sdelay $0x3  }
0x9b: {  	[tilespmem:s0+$0x20] =	vst v6  }
0x9c: {  	v6 =	vld [tilespmem:s31+$0x30];
	[tilespmem:s0+$0xFFFFFFA0] =	vst v5  }
0x9d: {  	v5 =	vld [tilespmem:s31+$0xFFFFFFB0];
	_ =	sdelay $0x6  }
0x9e: {  	v6 =	vld.idx.msk [tilespmem:v6+s3+$0x0], $0xffff  }
0x9f: {  	v5 =	vld.idx.msk [tilespmem:v5+s3+$0x0], $0xffff;
	_ =	sdelay $0x2  }
0xa0: {  	[tilespmem:s30+$0xFFFFFFB0] =	vst v4  }
0xa1: {  	[tilespmem:s0+$0x30] =	vst v6;
	v6 =	vld [tilespmem:s29+$0xFFFFFFC0]  }
0xa2: {  	v4 =	vld [tilespmem:s31+$0x40];
	[tilespmem:s0+$0xFFFFFFB0] =	vst v5  }
0xa3: {  	v5 =	vld [tilespmem:s31+$0xFFFFFFC0];
	_ =	sdelay $0x4  }
0xa4: {  	v3 =	vld.idx.msk [tilespmem:v3+s3+$0x0], $0xffff  }
0xa5: {  	v6 =	vld.idx.msk [tilespmem:v6+s3+$0x0], $0xffff  }
0xa6: {  	v4 =	vld.idx.msk [tilespmem:v4+s3+$0x0], $0xffff  }
0xa7: {  	v5 =	vld.idx.msk [tilespmem:v5+s3+$0x0], $0xffff;
	_ =	sdelay $0x1  }
0xa8: {  	[tilespmem:s30+$0x40] =	vst v3  }
0xa9: {  	v3 =	vld [tilespmem:s29+$0x50];
	[tilespmem:s30+$0xFFFFFFC0] =	vst v6  }
0xaa: {  	[tilespmem:s0+$0x40] =	vst v4;
	v6 =	vld [tilespmem:s29+$0xFFFFFFD0]  }
0xab: {  	v4 =	vld [tilespmem:s31+$0x50];
	[tilespmem:s0+$0xFFFFFFC0] =	vst v5  }
0xac: {  	v5 =	vld [tilespmem:s31+$0xFFFFFFD0];
	_ =	sdelay $0x4  }
0xad: {  	v3 =	vld.idx.msk [tilespmem:v3+s3+$0x0], $0xffff  }
0xae: {  	v6 =	vld.idx.msk [tilespmem:v6+s3+$0x0], $0xffff  }
0xaf: {  	v4 =	vld.idx.msk [tilespmem:v4+s3+$0x0], $0xffff  }
0xb0: {  	v5 =	vld.idx.msk [tilespmem:v5+s3+$0x0], $0xffff  }
0xb1: {  	v1 =	vld.idx.msk [tilespmem:v1+s3+$0x0], $0xffff;
	[tilespmem:s26+$0xFFFFFFD0] =	vst v2  }
0xb2: {  	[tilespmem:s30+$0x50] =	vst v3;
	v3 =	vld [tilespmem:s28+$0xFFFFFFE0]  }
0xb3: {  	v2 =	vld [tilespmem:s29+$0x60];
	[tilespmem:s30+$0xFFFFFFD0] =	vst v6  }
0xb4: {  	[tilespmem:s0+$0x50] =	vst v4;
	v6 =	vld [tilespmem:s29+$0xFFFFFFE0]  }
0xb5: {  	v4 =	vld [tilespmem:s31+$0x60];
	[tilespmem:s0+$0xFFFFFFD0] =	vst v5  }
0xb6: {  	v5 =	vld [tilespmem:s31+$0xFFFFFFE0];
	_ =	sdelay $0x1  }
0xb7: {  	[tilespmem:s26+$0x60] =	vst v1  }
0xb8: {  	v1 =	vld [tilespmem:s28+$0x70]  }
0xb9: {  	v3 =	vld.idx.msk [tilespmem:v3+s3+$0x0], $0xffff  }
0xba: {  	v2 =	vld.idx.msk [tilespmem:v2+s3+$0x0], $0xffff  }
0xbb: {  	v6 =	vld.idx.msk [tilespmem:v6+s3+$0x0], $0xffff  }
0xbc: {  	v4 =	vld.idx.msk [tilespmem:v4+s3+$0x0], $0xffff  }
0xbd: {  	v5 =	vld.idx.msk [tilespmem:v5+s3+$0x0], $0xffff  }
0xbe: {  	[tilespmem:s26+$0xFFFFFFE0] =	vst v3  }
0xbf: {  	[tilespmem:s30+$0x60] =	vst v2;
	v3 =	vld [tilespmem:s28+$0xFFFFFFF0]  }
0xc0: {  	v2 =	vld [tilespmem:s29+$0x70];
	[tilespmem:s30+$0xFFFFFFE0] =	vst v6  }
0xc1: {  	[tilespmem:s0+$0x60] =	vst v4;
	v6 =	vld [tilespmem:s29+$0xFFFFFFF0]  }
0xc2: {  	v4 =	vld [tilespmem:s31+$0x70];
	[tilespmem:s0+$0xFFFFFFE0] =	vst v5  }
0xc3: {  	v5 =	vld [tilespmem:s31+$0xFFFFFFF0]  }
0xc4: {  	v1 =	vld.idx.msk [tilespmem:v1+s3+$0x0], $0xffff;
	_ =	sdelay $0x1  }
0xc5: {  	v0 =	vld.idx.msk [tilespmem:v0+s3+$0x0], $0xffff  }
0xc6: {  	v3 =	vld.idx.msk [tilespmem:v3+s3+$0x0], $0xffff  }
0xc7: {  	v2 =	vld.idx.msk [tilespmem:v2+s3+$0x0], $0xffff  }
0xc8: {  	[tilespmem:s26+$0x70] =	vst v1;
	v1 =	vld.idx.msk [tilespmem:v6+s3+$0x0], $0xffff  }
0xc9: {  	v4 =	vld.idx.msk [tilespmem:v4+s3+$0x0], $0xffff  }
0xca: {  	[tilespmem:s25+$0xFFFFFFF0] =	vst v0;
	v0 =	vld.idx.msk [tilespmem:v5+s3+$0x0], $0xffff  }
0xcb: {  	[tilespmem:s26+$0xFFFFFFF0] =	vst v3  }
0xcc: {  	[tilespmem:s30+$0x70] =	vst v2  }
0xcd: {  	[tilespmem:s30+$0xFFFFFFF0] =	vst v1  }
0xce: {  	[tilespmem:s0+$0x70] =	vst v4  }
0xcf: {  	[tilespmem:s0+$0xFFFFFFF0] =	vst v0  }
0xd0: {  	[hbm4b:s6+s14] =	stream.strided.scatter [tilespmem:s19], [sflag:$0x3], $0x6400, s15, s14, $0x38;
	[tilespmem:$0x19100] =	vst v63  }
0xd1: {  	s26 =	simm.s32 $0x100  }
0xd2: {  	[tilespmem:s26], [sflag:$0x1] =	stream.strided.gather [hbm4b:s7+s14], $0x6400, s15, s14, $0x38;
	[tilespmem:$0x19100] =	vst v63  }
0xd3: {  	_ =	swait.ge [sflag:s20], $0x6400  }
0xd4: {  	[sflag:s20] =	ssyncset.done $0x0  }
0xd5: {  	s1 =	simm.s32 $0x6580;
	[sflag:s20] =	ssyncadd.s32 $0xFFFF9C00  }
0xd6: {  	v0 =	vld [tilespmem:s1+$0x0];
	_ =	sdelay $0x1  }
0xd7: {  	v1 =	vld [tilespmem:s1+$0xFFFFFF80];
	_ =	sdelay $0x5  }
0xd8: {  	v0 =	vld.idx.msk [tilespmem:v0+s3+$0x0], $0xffff;
	_ =	sdelay $0x1  }
0xd9: {  	v1 =	vld.idx.msk [tilespmem:v1+s3+$0x0], $0xffff;
	_ =	sdelay $0x1  }
0xda: {  	s25 =	simm.s32 $0x12D80  }
0xdb: {  	[tilespmem:s25+$0x0] =	vst v0  }
0xdc: {  	v0 =	vld [tilespmem:s1+$0x10]  }
0xdd: {  	[tilespmem:s25+$0xFFFFFF80] =	vst v1  }
0xde: {  	v1 =	vld [tilespmem:s1+$0xFFFFFF90];
	_ =	sdelay $0x3  }
0xdf: {  	s28 =	simm.s32 $0x6680  }
0xe0: {  	v2 =	vld [tilespmem:s28+$0x0]  }
0xe1: {  	v0 =	vld.idx.msk [tilespmem:v0+s3+$0x0], $0xffff;
	_ =	sdelay $0x1  }
0xe2: {  	v1 =	vld.idx.msk [tilespmem:v1+s3+$0x0], $0xffff;
	_ =	sdelay $0x2  }
0xe3: {  	[tilespmem:s25+$0x10] =	vst v0  }
0xe4: {  	v0 =	vld [tilespmem:s1+$0x20]  }
0xe5: {  	[tilespmem:s25+$0xFFFFFF90] =	vst v1;
	v1 =	vld.idx.msk [tilespmem:v2+s3+$0x0], $0xffff  }
0xe6: {  	v3 =	vld [tilespmem:s28+$0xFFFFFF80];
	_ =	sdelay $0x1  }
0xe7: {  	v2 =	vld [tilespmem:s1+$0xFFFFFFA0]  }
0xe8: {  	s26 =	simm.s32 $0x12E80  }
0xe9: {  	[tilespmem:s26+$0x0] =	vst v1  }
0xea: {  	v1 =	vld [tilespmem:s28+$0x10]  }
0xeb: {  	v0 =	vld.idx.msk [tilespmem:v0+s3+$0x0], $0xffff;
	_ =	sdelay $0x1  }
0xec: {  	v3 =	vld.idx.msk [tilespmem:v3+s3+$0x0], $0xffff;
	_ =	sdelay $0x1  }
0xed: {  	v2 =	vld.idx.msk [tilespmem:v2+s3+$0x0], $0xffff  }
0xee: {  	[tilespmem:s25+$0x20] =	vst v0  }
0xef: {  	v0 =	vld [tilespmem:s1+$0x30]  }
0xf0: {  	[tilespmem:s26+$0xFFFFFF80] =	vst v3;
	v1 =	vld.idx.msk [tilespmem:v1+s3+$0x0], $0xffff  }
0xf1: {  	v3 =	vld [tilespmem:s28+$0xFFFFFF90]  }
0xf2: {  	[tilespmem:s25+$0xFFFFFFA0] =	vst v2  }
0xf3: {  	v2 =	vld [tilespmem:s1+$0xFFFFFFB0];
	_ =	sdelay $0x1  }
0xf4: {  	[tilespmem:s26+$0x10] =	vst v1  }
0xf5: {  	v1 =	vld [tilespmem:s28+$0x20]  }
0xf6: {  	s29 =	simm.s32 $0x6780;
	v0 =	vld.idx.msk [tilespmem:v0+s3+$0x0], $0xffff  }
0xf7: {  	v4 =	vld [tilespmem:s29+$0x0]  }
0xf8: {  	v3 =	vld.idx.msk [tilespmem:v3+s3+$0x0], $0xffff  }
0xf9: {  	v5 =	vld [tilespmem:s29+$0xFFFFFF80]  }
0xfa: {  	v2 =	vld.idx.msk [tilespmem:v2+s3+$0x0], $0xffff  }
0xfb: {  	[tilespmem:s25+$0x30] =	vst v0  }
0xfc: {  	v0 =	vld [tilespmem:s1+$0x40]  }
0xfd: {  	[tilespmem:s26+$0xFFFFFF90] =	vst v3;
	v1 =	vld.idx.msk [tilespmem:v1+s3+$0x0], $0xffff  }
0xfe: {  	v3 =	vld [tilespmem:s28+$0xFFFFFFA0]  }
0xff: {  	v4 =	vld.idx.msk [tilespmem:v4+s3+$0x0], $0xffff;
	[tilespmem:s25+$0xFFFFFFB0] =	vst v2  }
0x100: {  	v2 =	vld [tilespmem:s1+$0xFFFFFFC0]  }
0x101: {  	s31 =	simm.s32 $0x6880;
	v5 =	vld.idx.msk [tilespmem:v5+s3+$0x0], $0xffff  }
0x102: {  	v6 =	vld [tilespmem:s31+$0x0];
	[tilespmem:s26+$0x20] =	vst v1  }
0x103: {  	s30 =	simm.s32 $0x12F80;
	v1 =	vld [tilespmem:s28+$0x30]  }
0x104: {  	[tilespmem:s30+$0x0] =	vst v4;
	v0 =	vld.idx.msk [tilespmem:v0+s3+$0x0], $0xffff  }
0x105: {  	v4 =	vld [tilespmem:s29+$0x10]  }
0x106: {  	[tilespmem:s30+$0xFFFFFF80] =	vst v5;
	v3 =	vld.idx.msk [tilespmem:v3+s3+$0x0], $0xffff  }
0x107: {  	v5 =	vld [tilespmem:s29+$0xFFFFFF90]  }
0x108: {  	v2 =	vld.idx.msk [tilespmem:v2+s3+$0x0], $0xffff  }
0x109: {  	v7 =	vld [tilespmem:s31+$0xFFFFFF80];
	[tilespmem:s25+$0x40] =	vst v0  }
0x10a: {  	v0 =	vld [tilespmem:s1+$0x50]  }
0x10b: {  	[tilespmem:s26+$0xFFFFFFA0] =	vst v3;
	v1 =	vld.idx.msk [tilespmem:v1+s3+$0x0], $0xffff  }
0x10c: {  	v3 =	vld [tilespmem:s28+$0xFFFFFFB0]  }
0x10d: {  	v4 =	vld.idx.msk [tilespmem:v4+s3+$0x0], $0xffff;
	[tilespmem:s25+$0xFFFFFFC0] =	vst v2  }
0x10e: {  	v2 =	vld [tilespmem:s1+$0xFFFFFFD0]  }
0x10f: {  	v5 =	vld.idx.msk [tilespmem:v5+s3+$0x0], $0xffff  }
0x110: {  	v6 =	vld.idx.msk [tilespmem:v6+s3+$0x0], $0xffff;
	[tilespmem:s26+$0x30] =	vst v1  }
0x111: {  	v1 =	vld [tilespmem:s28+$0x40]  }
0x112: {  	[tilespmem:s30+$0x10] =	vst v4;
	v0 =	vld.idx.msk [tilespmem:v0+s3+$0x0], $0xffff  }
0x113: {  	v4 =	vld [tilespmem:s29+$0x20]  }
0x114: {  	[tilespmem:s30+$0xFFFFFF90] =	vst v5;
	v3 =	vld.idx.msk [tilespmem:v3+s3+$0x0], $0xffff  }
0x115: {  	v5 =	vld [tilespmem:s29+$0xFFFFFFA0]  }
0x116: {  	v2 =	vld.idx.msk [tilespmem:v2+s3+$0x0], $0xffff  }
0x117: {  	v7 =	vld.idx.msk [tilespmem:v7+s3+$0x0], $0xffff;
	[tilespmem:s25+$0x50] =	vst v0  }
0x118: {  	v0 =	vld [tilespmem:s1+$0x60]  }
0x119: {  	s0 =	simm.s32 $0x13080;
	[tilespmem:s26+$0xFFFFFFB0] =	vst v3;
	v1 =	vld.idx.msk [tilespmem:v1+s3+$0x0], $0xffff  }
0x11a: {  	[tilespmem:s0+$0x0] =	vst v6;
	v3 =	vld [tilespmem:s28+$0xFFFFFFC0]  }
0x11b: {  	[tilespmem:s25+$0xFFFFFFD0] =	vst v2;
	v2 =	vld.idx.msk [tilespmem:v4+s3+$0x0], $0xffff  }
0x11c: {  	v6 =	vld [tilespmem:s31+$0x10]  }
0x11d: {  	v4 =	vld [tilespmem:s1+$0xFFFFFFE0]  }
0x11e: {  	v5 =	vld.idx.msk [tilespmem:v5+s3+$0x0], $0xffff;
	[tilespmem:s26+$0x40] =	vst v1  }
0x11f: {  	v1 =	vld [tilespmem:s28+$0x50]  }
0x120: {  	[tilespmem:s30+$0x20] =	vst v2;
	v0 =	vld.idx.msk [tilespmem:v0+s3+$0x0], $0xffff  }
0x121: {  	v2 =	vld [tilespmem:s29+$0x30]  }
0x122: {  	[tilespmem:s0+$0xFFFFFF80] =	vst v7;
	v3 =	vld.idx.msk [tilespmem:v3+s3+$0x0], $0xffff  }
0x123: {  	v8 =	vld [tilespmem:s31+$0xFFFFFF90];
	[tilespmem:s30+$0xFFFFFFA0] =	vst v5  }
0x124: {  	v9 =	vld [tilespmem:s29+$0xFFFFFFB0]  }
0x125: {  	v4 =	vld.idx.msk [tilespmem:v4+s3+$0x0], $0xffff;
	[tilespmem:s25+$0x60] =	vst v0  }
0x126: {  	v0 =	vld [tilespmem:s1+$0x70]  }
0x127: {  	[tilespmem:s26+$0xFFFFFFC0] =	vst v3;
	v1 =	vld.idx.msk [tilespmem:v1+s3+$0x0], $0xffff  }
0x128: {  	v10 =	vld [tilespmem:s28+$0xFFFFFFD0]  }
0x129: {  	v2 =	vld.idx.msk [tilespmem:v2+s3+$0x0], $0xffff  }
0x12a: {  	[tilespmem:s25+$0xFFFFFFE0] =	vst v4;
	v4 =	vld.idx.msk [tilespmem:v6+s3+$0x0], $0xffff;
	_ =	sdelay $0x1  }
0x12b: {  	v5 =	vld.idx.msk [tilespmem:v8+s3+$0x0], $0xffff;
	[tilespmem:s26+$0x50] =	vst v1  }
0x12c: {  	v1 =	vld [tilespmem:s28+$0x60]  }
0x12d: {  	[tilespmem:s30+$0x30] =	vst v2;
	v7 =	vld.idx.msk [tilespmem:v0+s3+$0x0], $0xffff  }
0x12e: {  	[tilespmem:s0+$0x10] =	vst v4;
	v4 =	vld.idx.msk [tilespmem:v9+s3+$0x0], $0xffff  }
0x12f: {  	v3 =	vld [tilespmem:s29+$0x40]  }
0x130: {  	v2 =	vld.idx.msk [tilespmem:v10+s3+$0x0], $0xffff  }
0x131: {  	v6 =	vld [tilespmem:s31+$0x20]  }
0x132: {  	s2 =	simm.s32 $0x6980;
	v0 =	vld [tilespmem:s1+$0xFFFFFFF0];
	s1 =	simm.s32 $0x6;
	[tilespmem:s25+$0x70] =	vst v7  }
.LBB2_4:
0x133: {  	v7 =	vld [tilespmem:s2+$0x0];
	s1 =	sadd.s32 $0x2, s1;
	s16 =	smov.u32 s30;
	s30 =	smov.u32 s0  }
0x134: {  	v8 =	vld [tilespmem:s2+$0xFFFFFF80];
	p0 =	slt.u32 s1, $0xC6;
	[tilespmem:s0+$0xFFFFFF90] =	vst v5  }
0x135: {  	v1 =	vld.idx.msk [tilespmem:v1+s3+$0x0], $0xffff  }
0x136: {  	v5 =	vld [tilespmem:s31+$0xFFFFFFA0];
	[tilespmem:s16+$0xFFFFFFB0] =	vst v4  }
0x137: {  	v3 =	vld.idx.msk [tilespmem:v3+s3+$0x0], $0xffff  }
0x138: {  	v4 =	vld [tilespmem:s29+$0xFFFFFFC0];
	[tilespmem:s26+$0xFFFFFFD0] =	vst v2  }
0x139: {  	v2 =	vld.idx.msk [tilespmem:v6+s3+$0x0], $0xffff  }
0x13a: {  	v6 =	vld [tilespmem:s28+$0xFFFFFFE0]  }
0x13b: {  	v7 =	vld.idx.msk [tilespmem:v7+s3+$0x0], $0xffff;
	[tilespmem:s26+$0x60] =	vst v1  }
0x13c: {  	v1 =	vld [tilespmem:s28+$0x70]  }
0x13d: {  	v8 =	vld.idx.msk [tilespmem:v8+s3+$0x0], $0xffff;
	[tilespmem:s16+$0x40] =	vst v3  }
0x13e: {  	v3 =	vld [tilespmem:s29+$0x50]  }
0x13f: {  	v5 =	vld.idx.msk [tilespmem:v5+s3+$0x0], $0xffff;
	[tilespmem:s0+$0x20] =	vst v2  }
0x140: {  	s0 =	sadd.s32 $0x100, s0;
	v2 =	vld [tilespmem:s31+$0x30]  }
0x141: {  	[tilespmem:s0+$0x0] =	vst v7;
	v4 =	vld.idx.msk [tilespmem:v4+s3+$0x0], $0xffff  }
0x142: {  	v7 =	vld [tilespmem:s2+$0x10]  }
0x143: {  	[tilespmem:s0+$0xFFFFFF80] =	vst v8;
	v6 =	vld.idx.msk [tilespmem:v6+s3+$0x0], $0xffff  }
0x144: {  	v1 =	vld.idx.msk [tilespmem:v1+s3+$0x0], $0xffff  }
0x145: {  	v8 =	vld [tilespmem:s2+$0xFFFFFF90];
	[tilespmem:s30+$0xFFFFFFA0] =	vst v5  }
0x146: {  	v3 =	vld.idx.msk [tilespmem:v3+s3+$0x0], $0xffff  }
0x147: {  	v9 =	vld [tilespmem:s31+$0xFFFFFFB0];
	[tilespmem:s16+$0xFFFFFFC0] =	vst v4  }
0x148: {  	v2 =	vld.idx.msk [tilespmem:v2+s3+$0x0], $0xffff  }
0x149: {  	v10 =	vld [tilespmem:s29+$0xFFFFFFD0];
	[tilespmem:s26+$0xFFFFFFE0] =	vst v6  }
0x14a: {  	v4 =	vld.idx.msk [tilespmem:v7+s3+$0x0], $0xffff;
	[tilespmem:s26+$0x70] =	vst v1  }
0x14b: {  	v6 =	vld [tilespmem:s28+$0xFFFFFFF0];
	s28 =	smov.u32 s29;
	s29 =	smov.u32 s31;
	s31 =	smov.u32 s2  }
0x14c: {  	[tilespmem:s16+$0x50] =	vst v3;
	v7 =	vld.idx.msk [tilespmem:v0+s3+$0x0], $0xffff  }
0x14d: {  	v1 =	vld [tilespmem:s28+$0x60]  }
.Ltmp1:
0x14e: {  	v5 =	vld.idx.msk [tilespmem:v8+s3+$0x0], $0xffff;
	[tilespmem:s30+$0x30] =	vst v2;
	(pc) =	sbr.rel @p0 .LBB2_4-.Ltmp1, $4  }
0x14f: {  	v3 =	vld [tilespmem:s29+$0x40]  }
0x150: {  	[tilespmem:s0+$0x10] =	vst v4;
	v4 =	vld.idx.msk [tilespmem:v9+s3+$0x0], $0xffff;
	v0 =	vmov v6  }
0x151: {  	v6 =	vld [tilespmem:s2+$0x20]  }
0x152: {  	s2 =	sadd.s32 $0x100, s2;
	v2 =	vld.idx.msk [tilespmem:v10+s3+$0x0], $0xffff;
	[tilespmem:s25+$0xFFFFFFF0] =	vst v7;
	s25 =	smov.u32 s26;
	s26 =	smov.u32 s16  }
0x153: {  	[tilespmem:s0+$0xFFFFFF90] =	vst v5  }
0x154: {  	v5 =	vld [tilespmem:s31+$0xFFFFFFA0];
	_ =	sdelay $0x6  }
0x155: {  	v6 =	vld.idx.msk [tilespmem:v6+s3+$0x0], $0xffff  }
0x156: {  	v5 =	vld.idx.msk [tilespmem:v5+s3+$0x0], $0xffff;
	_ =	sdelay $0x3  }
0x157: {  	[tilespmem:s0+$0x20] =	vst v6  }
0x158: {  	v6 =	vld [tilespmem:s31+$0x30];
	[tilespmem:s0+$0xFFFFFFA0] =	vst v5  }
0x159: {  	v5 =	vld [tilespmem:s31+$0xFFFFFFB0];
	_ =	sdelay $0x6  }
0x15a: {  	v6 =	vld.idx.msk [tilespmem:v6+s3+$0x0], $0xffff  }
0x15b: {  	v5 =	vld.idx.msk [tilespmem:v5+s3+$0x0], $0xffff;
	_ =	sdelay $0x2  }
0x15c: {  	[tilespmem:s30+$0xFFFFFFB0] =	vst v4  }
0x15d: {  	[tilespmem:s0+$0x30] =	vst v6;
	v6 =	vld [tilespmem:s29+$0xFFFFFFC0]  }
0x15e: {  	v4 =	vld [tilespmem:s31+$0x40];
	[tilespmem:s0+$0xFFFFFFB0] =	vst v5  }
0x15f: {  	v5 =	vld [tilespmem:s31+$0xFFFFFFC0];
	_ =	sdelay $0x4  }
0x160: {  	v3 =	vld.idx.msk [tilespmem:v3+s3+$0x0], $0xffff  }
0x161: {  	v6 =	vld.idx.msk [tilespmem:v6+s3+$0x0], $0xffff  }
0x162: {  	v4 =	vld.idx.msk [tilespmem:v4+s3+$0x0], $0xffff  }
0x163: {  	v5 =	vld.idx.msk [tilespmem:v5+s3+$0x0], $0xffff;
	_ =	sdelay $0x1  }
0x164: {  	[tilespmem:s30+$0x40] =	vst v3  }
0x165: {  	v3 =	vld [tilespmem:s29+$0x50];
	[tilespmem:s30+$0xFFFFFFC0] =	vst v6  }
0x166: {  	[tilespmem:s0+$0x40] =	vst v4;
	v6 =	vld [tilespmem:s29+$0xFFFFFFD0]  }
0x167: {  	v4 =	vld [tilespmem:s31+$0x50];
	[tilespmem:s0+$0xFFFFFFC0] =	vst v5  }
0x168: {  	v5 =	vld [tilespmem:s31+$0xFFFFFFD0];
	_ =	sdelay $0x4  }
0x169: {  	v3 =	vld.idx.msk [tilespmem:v3+s3+$0x0], $0xffff  }
0x16a: {  	v6 =	vld.idx.msk [tilespmem:v6+s3+$0x0], $0xffff  }
0x16b: {  	v4 =	vld.idx.msk [tilespmem:v4+s3+$0x0], $0xffff  }
0x16c: {  	v5 =	vld.idx.msk [tilespmem:v5+s3+$0x0], $0xffff  }
0x16d: {  	v1 =	vld.idx.msk [tilespmem:v1+s3+$0x0], $0xffff;
	[tilespmem:s26+$0xFFFFFFD0] =	vst v2  }
0x16e: {  	[tilespmem:s30+$0x50] =	vst v3;
	v3 =	vld [tilespmem:s28+$0xFFFFFFE0]  }
0x16f: {  	v2 =	vld [tilespmem:s29+$0x60];
	[tilespmem:s30+$0xFFFFFFD0] =	vst v6  }
0x170: {  	[tilespmem:s0+$0x50] =	vst v4;
	v6 =	vld [tilespmem:s29+$0xFFFFFFE0]  }
0x171: {  	v4 =	vld [tilespmem:s31+$0x60];
	[tilespmem:s0+$0xFFFFFFD0] =	vst v5  }
0x172: {  	v5 =	vld [tilespmem:s31+$0xFFFFFFE0];
	_ =	sdelay $0x1  }
0x173: {  	[tilespmem:s26+$0x60] =	vst v1  }
0x174: {  	v1 =	vld [tilespmem:s28+$0x70]  }
0x175: {  	v3 =	vld.idx.msk [tilespmem:v3+s3+$0x0], $0xffff  }
0x176: {  	v2 =	vld.idx.msk [tilespmem:v2+s3+$0x0], $0xffff  }
0x177: {  	v6 =	vld.idx.msk [tilespmem:v6+s3+$0x0], $0xffff  }
0x178: {  	v4 =	vld.idx.msk [tilespmem:v4+s3+$0x0], $0xffff  }
0x179: {  	v5 =	vld.idx.msk [tilespmem:v5+s3+$0x0], $0xffff  }
0x17a: {  	[tilespmem:s26+$0xFFFFFFE0] =	vst v3  }
0x17b: {  	[tilespmem:s30+$0x60] =	vst v2;
	v3 =	vld [tilespmem:s28+$0xFFFFFFF0]  }
0x17c: {  	v2 =	vld [tilespmem:s29+$0x70];
	[tilespmem:s30+$0xFFFFFFE0] =	vst v6  }
0x17d: {  	[tilespmem:s0+$0x60] =	vst v4;
	v6 =	vld [tilespmem:s29+$0xFFFFFFF0]  }
0x17e: {  	v4 =	vld [tilespmem:s31+$0x70];
	[tilespmem:s0+$0xFFFFFFE0] =	vst v5  }
0x17f: {  	v5 =	vld [tilespmem:s31+$0xFFFFFFF0]  }
0x180: {  	v1 =	vld.idx.msk [tilespmem:v1+s3+$0x0], $0xffff;
	_ =	sdelay $0x1  }
0x181: {  	v0 =	vld.idx.msk [tilespmem:v0+s3+$0x0], $0xffff  }
0x182: {  	v3 =	vld.idx.msk [tilespmem:v3+s3+$0x0], $0xffff  }
0x183: {  	v2 =	vld.idx.msk [tilespmem:v2+s3+$0x0], $0xffff  }
0x184: {  	[tilespmem:s26+$0x70] =	vst v1;
	v1 =	vld.idx.msk [tilespmem:v6+s3+$0x0], $0xffff  }
0x185: {  	v4 =	vld.idx.msk [tilespmem:v4+s3+$0x0], $0xffff  }
0x186: {  	[tilespmem:s25+$0xFFFFFFF0] =	vst v0;
	v0 =	vld.idx.msk [tilespmem:v5+s3+$0x0], $0xffff  }
0x187: {  	[tilespmem:s26+$0xFFFFFFF0] =	vst v3  }
0x188: {  	[tilespmem:s30+$0x70] =	vst v2  }
0x189: {  	[tilespmem:s30+$0xFFFFFFF0] =	vst v1  }
0x18a: {  	[tilespmem:s0+$0x70] =	vst v4  }
0x18b: {  	[tilespmem:s0+$0xFFFFFFF0] =	vst v0  }
0x18c: {  	[hbm4b:s8+s14] =	stream.strided.scatter [tilespmem:s21], [sflag:$0x4], $0x6400, s15, s14, $0x38;
	[tilespmem:$0x19100] =	vst v63  }
0x18d: {  	_ = 	snop  }
0x18e: {  	[tilespmem:s17], [sflag:$0x2] =	stream.strided.gather [hbm4b:s9+s14], $0x6400, s15, s14, $0x38;
	[tilespmem:$0x19100] =	vst v63  }
0x18f: {  	_ =	swait.ge [sflag:s18], $0x6400  }
0x190: {  	[sflag:s18] =	ssyncset.done $0x0  }
0x191: {  	[sflag:s18] =	ssyncadd.s32 $0xFFFF9C00  }
0x192: {  	_ =	swait.ge [sflag:s22], $0x6400  }
0x193: {  	[sflag:s22] =	ssyncset.done $0x0  }
0x194: {  	s1 =	simm.s32 $0x180;
	[sflag:s22] =	ssyncadd.s32 $0xFFFF9C00  }
0x195: {  	v0 =	vld [tilespmem:s1+$0x0];
	_ =	sdelay $0x1  }
0x196: {  	v1 =	vld [tilespmem:s1+$0xFFFFFF80];
	_ =	sdelay $0x5  }
0x197: {  	v0 =	vld.idx.msk [tilespmem:v0+s3+$0x0], $0xffff;
	_ =	sdelay $0x1  }
0x198: {  	v1 =	vld.idx.msk [tilespmem:v1+s3+$0x0], $0xffff;
	_ =	sdelay $0x1  }
0x199: {  	s25 =	simm.s32 $0xC980  }
0x19a: {  	[tilespmem:s25+$0x0] =	vst v0  }
0x19b: {  	v0 =	vld [tilespmem:s1+$0x10]  }
0x19c: {  	[tilespmem:s25+$0xFFFFFF80] =	vst v1  }
0x19d: {  	v1 =	vld [tilespmem:s1+$0xFFFFFF90];
	_ =	sdelay $0x3  }
0x19e: {  	s28 =	simm.s32 $0x280  }
0x19f: {  	v2 =	vld [tilespmem:s28+$0x0]  }
0x1a0: {  	v0 =	vld.idx.msk [tilespmem:v0+s3+$0x0], $0xffff;
	_ =	sdelay $0x1  }
0x1a1: {  	v1 =	vld.idx.msk [tilespmem:v1+s3+$0x0], $0xffff;
	_ =	sdelay $0x2  }
0x1a2: {  	[tilespmem:s25+$0x10] =	vst v0  }
0x1a3: {  	v0 =	vld [tilespmem:s1+$0x20]  }
0x1a4: {  	[tilespmem:s25+$0xFFFFFF90] =	vst v1;
	v1 =	vld.idx.msk [tilespmem:v2+s3+$0x0], $0xffff  }
0x1a5: {  	v3 =	vld [tilespmem:s28+$0xFFFFFF80];
	_ =	sdelay $0x1  }
0x1a6: {  	v2 =	vld [tilespmem:s1+$0xFFFFFFA0]  }
0x1a7: {  	s26 =	simm.s32 $0xCA80  }
0x1a8: {  	[tilespmem:s26+$0x0] =	vst v1  }
0x1a9: {  	v1 =	vld [tilespmem:s28+$0x10]  }
0x1aa: {  	v0 =	vld.idx.msk [tilespmem:v0+s3+$0x0], $0xffff;
	_ =	sdelay $0x1  }
0x1ab: {  	v3 =	vld.idx.msk [tilespmem:v3+s3+$0x0], $0xffff;
	_ =	sdelay $0x1  }
0x1ac: {  	v2 =	vld.idx.msk [tilespmem:v2+s3+$0x0], $0xffff  }
0x1ad: {  	[tilespmem:s25+$0x20] =	vst v0  }
0x1ae: {  	v0 =	vld [tilespmem:s1+$0x30]  }
0x1af: {  	[tilespmem:s26+$0xFFFFFF80] =	vst v3;
	v1 =	vld.idx.msk [tilespmem:v1+s3+$0x0], $0xffff  }
0x1b0: {  	v3 =	vld [tilespmem:s28+$0xFFFFFF90]  }
0x1b1: {  	[tilespmem:s25+$0xFFFFFFA0] =	vst v2  }
0x1b2: {  	v2 =	vld [tilespmem:s1+$0xFFFFFFB0];
	_ =	sdelay $0x1  }
0x1b3: {  	[tilespmem:s26+$0x10] =	vst v1  }
0x1b4: {  	v1 =	vld [tilespmem:s28+$0x20]  }
0x1b5: {  	s29 =	simm.s32 $0x380;
	v0 =	vld.idx.msk [tilespmem:v0+s3+$0x0], $0xffff  }
0x1b6: {  	v4 =	vld [tilespmem:s29+$0x0]  }
0x1b7: {  	v3 =	vld.idx.msk [tilespmem:v3+s3+$0x0], $0xffff  }
0x1b8: {  	v5 =	vld [tilespmem:s29+$0xFFFFFF80]  }
0x1b9: {  	v2 =	vld.idx.msk [tilespmem:v2+s3+$0x0], $0xffff  }
0x1ba: {  	[tilespmem:s25+$0x30] =	vst v0  }
0x1bb: {  	v0 =	vld [tilespmem:s1+$0x40]  }
0x1bc: {  	[tilespmem:s26+$0xFFFFFF90] =	vst v3;
	v1 =	vld.idx.msk [tilespmem:v1+s3+$0x0], $0xffff  }
0x1bd: {  	v3 =	vld [tilespmem:s28+$0xFFFFFFA0]  }
0x1be: {  	v4 =	vld.idx.msk [tilespmem:v4+s3+$0x0], $0xffff;
	[tilespmem:s25+$0xFFFFFFB0] =	vst v2  }
0x1bf: {  	v2 =	vld [tilespmem:s1+$0xFFFFFFC0]  }
0x1c0: {  	s31 =	simm.s32 $0x480;
	v5 =	vld.idx.msk [tilespmem:v5+s3+$0x0], $0xffff  }
0x1c1: {  	v6 =	vld [tilespmem:s31+$0x0];
	[tilespmem:s26+$0x20] =	vst v1  }
0x1c2: {  	s30 =	simm.s32 $0xCB80;
	v1 =	vld [tilespmem:s28+$0x30]  }
0x1c3: {  	[tilespmem:s30+$0x0] =	vst v4;
	v0 =	vld.idx.msk [tilespmem:v0+s3+$0x0], $0xffff  }
0x1c4: {  	v4 =	vld [tilespmem:s29+$0x10]  }
0x1c5: {  	[tilespmem:s30+$0xFFFFFF80] =	vst v5;
	v3 =	vld.idx.msk [tilespmem:v3+s3+$0x0], $0xffff  }
0x1c6: {  	v5 =	vld [tilespmem:s29+$0xFFFFFF90]  }
0x1c7: {  	v2 =	vld.idx.msk [tilespmem:v2+s3+$0x0], $0xffff  }
0x1c8: {  	v7 =	vld [tilespmem:s31+$0xFFFFFF80];
	[tilespmem:s25+$0x40] =	vst v0  }
0x1c9: {  	v0 =	vld [tilespmem:s1+$0x50]  }
0x1ca: {  	[tilespmem:s26+$0xFFFFFFA0] =	vst v3;
	v1 =	vld.idx.msk [tilespmem:v1+s3+$0x0], $0xffff  }
0x1cb: {  	v3 =	vld [tilespmem:s28+$0xFFFFFFB0]  }
0x1cc: {  	v4 =	vld.idx.msk [tilespmem:v4+s3+$0x0], $0xffff;
	[tilespmem:s25+$0xFFFFFFC0] =	vst v2  }
0x1cd: {  	v2 =	vld [tilespmem:s1+$0xFFFFFFD0]  }
0x1ce: {  	v5 =	vld.idx.msk [tilespmem:v5+s3+$0x0], $0xffff  }
0x1cf: {  	v6 =	vld.idx.msk [tilespmem:v6+s3+$0x0], $0xffff;
	[tilespmem:s26+$0x30] =	vst v1  }
0x1d0: {  	v1 =	vld [tilespmem:s28+$0x40]  }
0x1d1: {  	[tilespmem:s30+$0x10] =	vst v4;
	v0 =	vld.idx.msk [tilespmem:v0+s3+$0x0], $0xffff  }
0x1d2: {  	v4 =	vld [tilespmem:s29+$0x20]  }
0x1d3: {  	[tilespmem:s30+$0xFFFFFF90] =	vst v5;
	v3 =	vld.idx.msk [tilespmem:v3+s3+$0x0], $0xffff  }
0x1d4: {  	v5 =	vld [tilespmem:s29+$0xFFFFFFA0]  }
0x1d5: {  	v2 =	vld.idx.msk [tilespmem:v2+s3+$0x0], $0xffff  }
0x1d6: {  	v7 =	vld.idx.msk [tilespmem:v7+s3+$0x0], $0xffff;
	[tilespmem:s25+$0x50] =	vst v0  }
0x1d7: {  	v0 =	vld [tilespmem:s1+$0x60]  }
0x1d8: {  	s0 =	simm.s32 $0xCC80;
	[tilespmem:s26+$0xFFFFFFB0] =	vst v3;
	v1 =	vld.idx.msk [tilespmem:v1+s3+$0x0], $0xffff  }
0x1d9: {  	[tilespmem:s0+$0x0] =	vst v6;
	v3 =	vld [tilespmem:s28+$0xFFFFFFC0]  }
0x1da: {  	[tilespmem:s25+$0xFFFFFFD0] =	vst v2;
	v2 =	vld.idx.msk [tilespmem:v4+s3+$0x0], $0xffff  }
0x1db: {  	v6 =	vld [tilespmem:s31+$0x10]  }
0x1dc: {  	v4 =	vld [tilespmem:s1+$0xFFFFFFE0]  }
0x1dd: {  	v5 =	vld.idx.msk [tilespmem:v5+s3+$0x0], $0xffff;
	[tilespmem:s26+$0x40] =	vst v1  }
0x1de: {  	v1 =	vld [tilespmem:s28+$0x50]  }
0x1df: {  	[tilespmem:s30+$0x20] =	vst v2;
	v0 =	vld.idx.msk [tilespmem:v0+s3+$0x0], $0xffff  }
0x1e0: {  	v2 =	vld [tilespmem:s29+$0x30]  }
0x1e1: {  	[tilespmem:s0+$0xFFFFFF80] =	vst v7;
	v3 =	vld.idx.msk [tilespmem:v3+s3+$0x0], $0xffff  }
0x1e2: {  	v8 =	vld [tilespmem:s31+$0xFFFFFF90];
	[tilespmem:s30+$0xFFFFFFA0] =	vst v5  }
0x1e3: {  	v9 =	vld [tilespmem:s29+$0xFFFFFFB0]  }
0x1e4: {  	v4 =	vld.idx.msk [tilespmem:v4+s3+$0x0], $0xffff;
	[tilespmem:s25+$0x60] =	vst v0  }
0x1e5: {  	v0 =	vld [tilespmem:s1+$0x70]  }
0x1e6: {  	[tilespmem:s26+$0xFFFFFFC0] =	vst v3;
	v1 =	vld.idx.msk [tilespmem:v1+s3+$0x0], $0xffff  }
0x1e7: {  	v10 =	vld [tilespmem:s28+$0xFFFFFFD0]  }
0x1e8: {  	v2 =	vld.idx.msk [tilespmem:v2+s3+$0x0], $0xffff  }
0x1e9: {  	[tilespmem:s25+$0xFFFFFFE0] =	vst v4;
	v4 =	vld.idx.msk [tilespmem:v6+s3+$0x0], $0xffff;
	_ =	sdelay $0x1  }
0x1ea: {  	v5 =	vld.idx.msk [tilespmem:v8+s3+$0x0], $0xffff;
	[tilespmem:s26+$0x50] =	vst v1  }
0x1eb: {  	v1 =	vld [tilespmem:s28+$0x60]  }
0x1ec: {  	[tilespmem:s30+$0x30] =	vst v2;
	v7 =	vld.idx.msk [tilespmem:v0+s3+$0x0], $0xffff  }
0x1ed: {  	[tilespmem:s0+$0x10] =	vst v4;
	v4 =	vld.idx.msk [tilespmem:v9+s3+$0x0], $0xffff  }
0x1ee: {  	v3 =	vld [tilespmem:s29+$0x40]  }
0x1ef: {  	v2 =	vld.idx.msk [tilespmem:v10+s3+$0x0], $0xffff  }
0x1f0: {  	v6 =	vld [tilespmem:s31+$0x20]  }
0x1f1: {  	s2 =	simm.s32 $0x580;
	v0 =	vld [tilespmem:s1+$0xFFFFFFF0];
	s1 =	simm.s32 $0x6;
	[tilespmem:s25+$0x70] =	vst v7  }
.LBB2_6:
0x1f2: {  	v7 =	vld [tilespmem:s2+$0x0];
	s1 =	sadd.s32 $0x2, s1;
	s16 =	smov.u32 s30;
	s30 =	smov.u32 s0  }
0x1f3: {  	v8 =	vld [tilespmem:s2+$0xFFFFFF80];
	p0 =	slt.u32 s1, $0xC6;
	[tilespmem:s0+$0xFFFFFF90] =	vst v5  }
0x1f4: {  	v1 =	vld.idx.msk [tilespmem:v1+s3+$0x0], $0xffff  }
0x1f5: {  	v5 =	vld [tilespmem:s31+$0xFFFFFFA0];
	[tilespmem:s16+$0xFFFFFFB0] =	vst v4  }
0x1f6: {  	v3 =	vld.idx.msk [tilespmem:v3+s3+$0x0], $0xffff  }
0x1f7: {  	v4 =	vld [tilespmem:s29+$0xFFFFFFC0];
	[tilespmem:s26+$0xFFFFFFD0] =	vst v2  }
0x1f8: {  	v2 =	vld.idx.msk [tilespmem:v6+s3+$0x0], $0xffff  }
0x1f9: {  	v6 =	vld [tilespmem:s28+$0xFFFFFFE0]  }
0x1fa: {  	v7 =	vld.idx.msk [tilespmem:v7+s3+$0x0], $0xffff;
	[tilespmem:s26+$0x60] =	vst v1  }
0x1fb: {  	v1 =	vld [tilespmem:s28+$0x70]  }
0x1fc: {  	v8 =	vld.idx.msk [tilespmem:v8+s3+$0x0], $0xffff;
	[tilespmem:s16+$0x40] =	vst v3  }
0x1fd: {  	v3 =	vld [tilespmem:s29+$0x50]  }
0x1fe: {  	v5 =	vld.idx.msk [tilespmem:v5+s3+$0x0], $0xffff;
	[tilespmem:s0+$0x20] =	vst v2  }
0x1ff: {  	s0 =	sadd.s32 $0x100, s0;
	v2 =	vld [tilespmem:s31+$0x30]  }
0x200: {  	[tilespmem:s0+$0x0] =	vst v7;
	v4 =	vld.idx.msk [tilespmem:v4+s3+$0x0], $0xffff  }
0x201: {  	v7 =	vld [tilespmem:s2+$0x10]  }
0x202: {  	[tilespmem:s0+$0xFFFFFF80] =	vst v8;
	v6 =	vld.idx.msk [tilespmem:v6+s3+$0x0], $0xffff  }
0x203: {  	v1 =	vld.idx.msk [tilespmem:v1+s3+$0x0], $0xffff  }
0x204: {  	v8 =	vld [tilespmem:s2+$0xFFFFFF90];
	[tilespmem:s30+$0xFFFFFFA0] =	vst v5  }
0x205: {  	v3 =	vld.idx.msk [tilespmem:v3+s3+$0x0], $0xffff  }
0x206: {  	v9 =	vld [tilespmem:s31+$0xFFFFFFB0];
	[tilespmem:s16+$0xFFFFFFC0] =	vst v4  }
0x207: {  	v2 =	vld.idx.msk [tilespmem:v2+s3+$0x0], $0xffff  }
0x208: {  	v10 =	vld [tilespmem:s29+$0xFFFFFFD0];
	[tilespmem:s26+$0xFFFFFFE0] =	vst v6  }
0x209: {  	v4 =	vld.idx.msk [tilespmem:v7+s3+$0x0], $0xffff;
	[tilespmem:s26+$0x70] =	vst v1  }
0x20a: {  	v6 =	vld [tilespmem:s28+$0xFFFFFFF0];
	s28 =	smov.u32 s29;
	s29 =	smov.u32 s31;
	s31 =	smov.u32 s2  }
0x20b: {  	[tilespmem:s16+$0x50] =	vst v3;
	v7 =	vld.idx.msk [tilespmem:v0+s3+$0x0], $0xffff  }
0x20c: {  	v1 =	vld [tilespmem:s28+$0x60]  }
.Ltmp2:
0x20d: {  	v5 =	vld.idx.msk [tilespmem:v8+s3+$0x0], $0xffff;
	[tilespmem:s30+$0x30] =	vst v2;
	(pc) =	sbr.rel @p0 .LBB2_6-.Ltmp2, $4  }
0x20e: {  	v3 =	vld [tilespmem:s29+$0x40]  }
0x20f: {  	[tilespmem:s0+$0x10] =	vst v4;
	v4 =	vld.idx.msk [tilespmem:v9+s3+$0x0], $0xffff;
	v0 =	vmov v6  }
0x210: {  	v6 =	vld [tilespmem:s2+$0x20]  }
0x211: {  	s2 =	sadd.s32 $0x100, s2;
	v2 =	vld.idx.msk [tilespmem:v10+s3+$0x0], $0xffff;
	[tilespmem:s25+$0xFFFFFFF0] =	vst v7;
	s25 =	smov.u32 s26;
	s26 =	smov.u32 s16  }
0x212: {  	[tilespmem:s0+$0xFFFFFF90] =	vst v5  }
0x213: {  	v5 =	vld [tilespmem:s31+$0xFFFFFFA0];
	_ =	sdelay $0x6  }
0x214: {  	v6 =	vld.idx.msk [tilespmem:v6+s3+$0x0], $0xffff  }
0x215: {  	v5 =	vld.idx.msk [tilespmem:v5+s3+$0x0], $0xffff;
	_ =	sdelay $0x3  }
0x216: {  	[tilespmem:s0+$0x20] =	vst v6  }
0x217: {  	v6 =	vld [tilespmem:s31+$0x30];
	[tilespmem:s0+$0xFFFFFFA0] =	vst v5  }
0x218: {  	v5 =	vld [tilespmem:s31+$0xFFFFFFB0];
	_ =	sdelay $0x6  }
0x219: {  	v6 =	vld.idx.msk [tilespmem:v6+s3+$0x0], $0xffff  }
0x21a: {  	v5 =	vld.idx.msk [tilespmem:v5+s3+$0x0], $0xffff;
	_ =	sdelay $0x2  }
0x21b: {  	[tilespmem:s30+$0xFFFFFFB0] =	vst v4  }
0x21c: {  	[tilespmem:s0+$0x30] =	vst v6;
	v6 =	vld [tilespmem:s29+$0xFFFFFFC0]  }
0x21d: {  	v4 =	vld [tilespmem:s31+$0x40];
	[tilespmem:s0+$0xFFFFFFB0] =	vst v5  }
0x21e: {  	v5 =	vld [tilespmem:s31+$0xFFFFFFC0];
	_ =	sdelay $0x4  }
0x21f: {  	v3 =	vld.idx.msk [tilespmem:v3+s3+$0x0], $0xffff  }
0x220: {  	v6 =	vld.idx.msk [tilespmem:v6+s3+$0x0], $0xffff  }
0x221: {  	v4 =	vld.idx.msk [tilespmem:v4+s3+$0x0], $0xffff  }
0x222: {  	v5 =	vld.idx.msk [tilespmem:v5+s3+$0x0], $0xffff;
	_ =	sdelay $0x1  }
0x223: {  	[tilespmem:s30+$0x40] =	vst v3  }
0x224: {  	v3 =	vld [tilespmem:s29+$0x50];
	[tilespmem:s30+$0xFFFFFFC0] =	vst v6  }
0x225: {  	[tilespmem:s0+$0x40] =	vst v4;
	v6 =	vld [tilespmem:s29+$0xFFFFFFD0]  }
0x226: {  	v4 =	vld [tilespmem:s31+$0x50];
	[tilespmem:s0+$0xFFFFFFC0] =	vst v5  }
0x227: {  	v5 =	vld [tilespmem:s31+$0xFFFFFFD0];
	_ =	sdelay $0x4  }
0x228: {  	v3 =	vld.idx.msk [tilespmem:v3+s3+$0x0], $0xffff  }
0x229: {  	v6 =	vld.idx.msk [tilespmem:v6+s3+$0x0], $0xffff  }
0x22a: {  	v4 =	vld.idx.msk [tilespmem:v4+s3+$0x0], $0xffff  }
0x22b: {  	v5 =	vld.idx.msk [tilespmem:v5+s3+$0x0], $0xffff  }
0x22c: {  	v1 =	vld.idx.msk [tilespmem:v1+s3+$0x0], $0xffff;
	[tilespmem:s26+$0xFFFFFFD0] =	vst v2  }
0x22d: {  	[tilespmem:s30+$0x50] =	vst v3;
	v3 =	vld [tilespmem:s28+$0xFFFFFFE0]  }
0x22e: {  	v2 =	vld [tilespmem:s29+$0x60];
	[tilespmem:s30+$0xFFFFFFD0] =	vst v6  }
0x22f: {  	[tilespmem:s0+$0x50] =	vst v4;
	v6 =	vld [tilespmem:s29+$0xFFFFFFE0]  }
0x230: {  	v4 =	vld [tilespmem:s31+$0x60];
	[tilespmem:s0+$0xFFFFFFD0] =	vst v5  }
0x231: {  	v5 =	vld [tilespmem:s31+$0xFFFFFFE0];
	_ =	sdelay $0x1  }
0x232: {  	[tilespmem:s26+$0x60] =	vst v1  }
0x233: {  	v1 =	vld [tilespmem:s28+$0x70]  }
0x234: {  	v3 =	vld.idx.msk [tilespmem:v3+s3+$0x0], $0xffff  }
0x235: {  	v2 =	vld.idx.msk [tilespmem:v2+s3+$0x0], $0xffff  }
0x236: {  	v6 =	vld.idx.msk [tilespmem:v6+s3+$0x0], $0xffff  }
0x237: {  	v4 =	vld.idx.msk [tilespmem:v4+s3+$0x0], $0xffff  }
0x238: {  	v5 =	vld.idx.msk [tilespmem:v5+s3+$0x0], $0xffff  }
0x239: {  	[tilespmem:s26+$0xFFFFFFE0] =	vst v3  }
0x23a: {  	[tilespmem:s30+$0x60] =	vst v2;
	v3 =	vld [tilespmem:s28+$0xFFFFFFF0]  }
0x23b: {  	v2 =	vld [tilespmem:s29+$0x70];
	[tilespmem:s30+$0xFFFFFFE0] =	vst v6  }
0x23c: {  	[tilespmem:s0+$0x60] =	vst v4;
	v6 =	vld [tilespmem:s29+$0xFFFFFFF0]  }
0x23d: {  	v4 =	vld [tilespmem:s31+$0x70];
	[tilespmem:s0+$0xFFFFFFE0] =	vst v5  }
0x23e: {  	v5 =	vld [tilespmem:s31+$0xFFFFFFF0]  }
0x23f: {  	v1 =	vld.idx.msk [tilespmem:v1+s3+$0x0], $0xffff;
	_ =	sdelay $0x1  }
0x240: {  	v0 =	vld.idx.msk [tilespmem:v0+s3+$0x0], $0xffff  }
0x241: {  	v3 =	vld.idx.msk [tilespmem:v3+s3+$0x0], $0xffff  }
0x242: {  	v2 =	vld.idx.msk [tilespmem:v2+s3+$0x0], $0xffff  }
0x243: {  	[tilespmem:s26+$0x70] =	vst v1;
	v1 =	vld.idx.msk [tilespmem:v6+s3+$0x0], $0xffff  }
0x244: {  	v4 =	vld.idx.msk [tilespmem:v4+s3+$0x0], $0xffff  }
0x245: {  	[tilespmem:s25+$0xFFFFFFF0] =	vst v0;
	v0 =	vld.idx.msk [tilespmem:v5+s3+$0x0], $0xffff  }
0x246: {  	[tilespmem:s26+$0xFFFFFFF0] =	vst v3  }
0x247: {  	[tilespmem:s30+$0x70] =	vst v2  }
0x248: {  	[tilespmem:s30+$0xFFFFFFF0] =	vst v1  }
0x249: {  	[tilespmem:s0+$0x70] =	vst v4  }
0x24a: {  	[tilespmem:s0+$0xFFFFFFF0] =	vst v0  }
0x24b: {  	[hbm4b:s10+s14] =	stream.strided.scatter [tilespmem:s19], [sflag:$0x3], $0x6400, s15, s14, $0x38;
	[tilespmem:$0x19100] =	vst v63  }
0x24c: {  	_ =	swait.ge [sflag:s20], $0x6400  }
0x24d: {  	[sflag:s20] =	ssyncset.done $0x0  }
0x24e: {  	[sflag:s20] =	ssyncadd.s32 $0xFFFF9C00  }
0x24f: {  	_ =	swait.ge [sflag:s23], $0x6400  }
0x250: {  	[sflag:s23] =	ssyncset.done $0x0  }
0x251: {  	s1 =	simm.s32 $0x6580;
	[sflag:s23] =	ssyncadd.s32 $0xFFFF9C00  }
0x252: {  	v0 =	vld [tilespmem:s1+$0x0];
	_ =	sdelay $0x1  }
0x253: {  	v1 =	vld [tilespmem:s1+$0xFFFFFF80];
	_ =	sdelay $0x5  }
0x254: {  	v0 =	vld.idx.msk [tilespmem:v0+s3+$0x0], $0xffff;
	_ =	sdelay $0x1  }
0x255: {  	v1 =	vld.idx.msk [tilespmem:v1+s3+$0x0], $0xffff;
	_ =	sdelay $0x1  }
0x256: {  	s25 =	simm.s32 $0x12D80  }
0x257: {  	[tilespmem:s25+$0x0] =	vst v0  }
0x258: {  	v0 =	vld [tilespmem:s1+$0x10]  }
0x259: {  	[tilespmem:s25+$0xFFFFFF80] =	vst v1  }
0x25a: {  	v1 =	vld [tilespmem:s1+$0xFFFFFF90];
	_ =	sdelay $0x3  }
0x25b: {  	s28 =	simm.s32 $0x6680  }
0x25c: {  	v2 =	vld [tilespmem:s28+$0x0]  }
0x25d: {  	v0 =	vld.idx.msk [tilespmem:v0+s3+$0x0], $0xffff;
	_ =	sdelay $0x1  }
0x25e: {  	v1 =	vld.idx.msk [tilespmem:v1+s3+$0x0], $0xffff;
	_ =	sdelay $0x2  }
0x25f: {  	[tilespmem:s25+$0x10] =	vst v0  }
0x260: {  	v0 =	vld [tilespmem:s1+$0x20]  }
0x261: {  	[tilespmem:s25+$0xFFFFFF90] =	vst v1;
	v1 =	vld.idx.msk [tilespmem:v2+s3+$0x0], $0xffff  }
0x262: {  	v3 =	vld [tilespmem:s28+$0xFFFFFF80];
	_ =	sdelay $0x1  }
0x263: {  	v2 =	vld [tilespmem:s1+$0xFFFFFFA0]  }
0x264: {  	s26 =	simm.s32 $0x12E80  }
0x265: {  	[tilespmem:s26+$0x0] =	vst v1  }
0x266: {  	v1 =	vld [tilespmem:s28+$0x10]  }
0x267: {  	v0 =	vld.idx.msk [tilespmem:v0+s3+$0x0], $0xffff;
	_ =	sdelay $0x1  }
0x268: {  	v3 =	vld.idx.msk [tilespmem:v3+s3+$0x0], $0xffff;
	_ =	sdelay $0x1  }
0x269: {  	v2 =	vld.idx.msk [tilespmem:v2+s3+$0x0], $0xffff  }
0x26a: {  	[tilespmem:s25+$0x20] =	vst v0  }
0x26b: {  	v0 =	vld [tilespmem:s1+$0x30]  }
0x26c: {  	[tilespmem:s26+$0xFFFFFF80] =	vst v3;
	v1 =	vld.idx.msk [tilespmem:v1+s3+$0x0], $0xffff  }
0x26d: {  	v3 =	vld [tilespmem:s28+$0xFFFFFF90]  }
0x26e: {  	[tilespmem:s25+$0xFFFFFFA0] =	vst v2  }
0x26f: {  	v2 =	vld [tilespmem:s1+$0xFFFFFFB0];
	_ =	sdelay $0x1  }
0x270: {  	[tilespmem:s26+$0x10] =	vst v1  }
0x271: {  	v1 =	vld [tilespmem:s28+$0x20]  }
0x272: {  	s29 =	simm.s32 $0x6780;
	v0 =	vld.idx.msk [tilespmem:v0+s3+$0x0], $0xffff  }
0x273: {  	v4 =	vld [tilespmem:s29+$0x0]  }
0x274: {  	v3 =	vld.idx.msk [tilespmem:v3+s3+$0x0], $0xffff  }
0x275: {  	v5 =	vld [tilespmem:s29+$0xFFFFFF80]  }
0x276: {  	v2 =	vld.idx.msk [tilespmem:v2+s3+$0x0], $0xffff  }
0x277: {  	[tilespmem:s25+$0x30] =	vst v0  }
0x278: {  	v0 =	vld [tilespmem:s1+$0x40]  }
0x279: {  	[tilespmem:s26+$0xFFFFFF90] =	vst v3;
	v1 =	vld.idx.msk [tilespmem:v1+s3+$0x0], $0xffff  }
0x27a: {  	v3 =	vld [tilespmem:s28+$0xFFFFFFA0]  }
0x27b: {  	v4 =	vld.idx.msk [tilespmem:v4+s3+$0x0], $0xffff;
	[tilespmem:s25+$0xFFFFFFB0] =	vst v2  }
0x27c: {  	v2 =	vld [tilespmem:s1+$0xFFFFFFC0]  }
0x27d: {  	s31 =	simm.s32 $0x6880;
	v5 =	vld.idx.msk [tilespmem:v5+s3+$0x0], $0xffff  }
0x27e: {  	v6 =	vld [tilespmem:s31+$0x0];
	[tilespmem:s26+$0x20] =	vst v1  }
0x27f: {  	s30 =	simm.s32 $0x12F80;
	v1 =	vld [tilespmem:s28+$0x30]  }
0x280: {  	[tilespmem:s30+$0x0] =	vst v4;
	v0 =	vld.idx.msk [tilespmem:v0+s3+$0x0], $0xffff  }
0x281: {  	v4 =	vld [tilespmem:s29+$0x10]  }
0x282: {  	[tilespmem:s30+$0xFFFFFF80] =	vst v5;
	v3 =	vld.idx.msk [tilespmem:v3+s3+$0x0], $0xffff  }
0x283: {  	v5 =	vld [tilespmem:s29+$0xFFFFFF90]  }
0x284: {  	v2 =	vld.idx.msk [tilespmem:v2+s3+$0x0], $0xffff  }
0x285: {  	v7 =	vld [tilespmem:s31+$0xFFFFFF80];
	[tilespmem:s25+$0x40] =	vst v0  }
0x286: {  	v0 =	vld [tilespmem:s1+$0x50]  }
0x287: {  	[tilespmem:s26+$0xFFFFFFA0] =	vst v3;
	v1 =	vld.idx.msk [tilespmem:v1+s3+$0x0], $0xffff  }
0x288: {  	v3 =	vld [tilespmem:s28+$0xFFFFFFB0]  }
0x289: {  	v4 =	vld.idx.msk [tilespmem:v4+s3+$0x0], $0xffff;
	[tilespmem:s25+$0xFFFFFFC0] =	vst v2  }
0x28a: {  	v2 =	vld [tilespmem:s1+$0xFFFFFFD0]  }
0x28b: {  	v5 =	vld.idx.msk [tilespmem:v5+s3+$0x0], $0xffff  }
0x28c: {  	v6 =	vld.idx.msk [tilespmem:v6+s3+$0x0], $0xffff;
	[tilespmem:s26+$0x30] =	vst v1  }
0x28d: {  	v1 =	vld [tilespmem:s28+$0x40]  }
0x28e: {  	[tilespmem:s30+$0x10] =	vst v4;
	v0 =	vld.idx.msk [tilespmem:v0+s3+$0x0], $0xffff  }
0x28f: {  	v4 =	vld [tilespmem:s29+$0x20]  }
0x290: {  	[tilespmem:s30+$0xFFFFFF90] =	vst v5;
	v3 =	vld.idx.msk [tilespmem:v3+s3+$0x0], $0xffff  }
0x291: {  	v5 =	vld [tilespmem:s29+$0xFFFFFFA0]  }
0x292: {  	v2 =	vld.idx.msk [tilespmem:v2+s3+$0x0], $0xffff  }
0x293: {  	v7 =	vld.idx.msk [tilespmem:v7+s3+$0x0], $0xffff;
	[tilespmem:s25+$0x50] =	vst v0  }
0x294: {  	v0 =	vld [tilespmem:s1+$0x60]  }
0x295: {  	s0 =	simm.s32 $0x13080;
	[tilespmem:s26+$0xFFFFFFB0] =	vst v3;
	v1 =	vld.idx.msk [tilespmem:v1+s3+$0x0], $0xffff  }
0x296: {  	[tilespmem:s0+$0x0] =	vst v6;
	v3 =	vld [tilespmem:s28+$0xFFFFFFC0]  }
0x297: {  	[tilespmem:s25+$0xFFFFFFD0] =	vst v2;
	v2 =	vld.idx.msk [tilespmem:v4+s3+$0x0], $0xffff  }
0x298: {  	v6 =	vld [tilespmem:s31+$0x10]  }
0x299: {  	v4 =	vld [tilespmem:s1+$0xFFFFFFE0]  }
0x29a: {  	v5 =	vld.idx.msk [tilespmem:v5+s3+$0x0], $0xffff;
	[tilespmem:s26+$0x40] =	vst v1  }
0x29b: {  	v1 =	vld [tilespmem:s28+$0x50]  }
0x29c: {  	[tilespmem:s30+$0x20] =	vst v2;
	v0 =	vld.idx.msk [tilespmem:v0+s3+$0x0], $0xffff  }
0x29d: {  	v2 =	vld [tilespmem:s29+$0x30]  }
0x29e: {  	[tilespmem:s0+$0xFFFFFF80] =	vst v7;
	v3 =	vld.idx.msk [tilespmem:v3+s3+$0x0], $0xffff  }
0x29f: {  	v8 =	vld [tilespmem:s31+$0xFFFFFF90];
	[tilespmem:s30+$0xFFFFFFA0] =	vst v5  }
0x2a0: {  	v9 =	vld [tilespmem:s29+$0xFFFFFFB0]  }
0x2a1: {  	v4 =	vld.idx.msk [tilespmem:v4+s3+$0x0], $0xffff;
	[tilespmem:s25+$0x60] =	vst v0  }
0x2a2: {  	v0 =	vld [tilespmem:s1+$0x70]  }
0x2a3: {  	[tilespmem:s26+$0xFFFFFFC0] =	vst v3;
	v1 =	vld.idx.msk [tilespmem:v1+s3+$0x0], $0xffff  }
0x2a4: {  	v10 =	vld [tilespmem:s28+$0xFFFFFFD0]  }
0x2a5: {  	v2 =	vld.idx.msk [tilespmem:v2+s3+$0x0], $0xffff  }
0x2a6: {  	[tilespmem:s25+$0xFFFFFFE0] =	vst v4;
	v4 =	vld.idx.msk [tilespmem:v6+s3+$0x0], $0xffff;
	_ =	sdelay $0x1  }
0x2a7: {  	v5 =	vld.idx.msk [tilespmem:v8+s3+$0x0], $0xffff;
	[tilespmem:s26+$0x50] =	vst v1  }
0x2a8: {  	v1 =	vld [tilespmem:s28+$0x60]  }
0x2a9: {  	[tilespmem:s30+$0x30] =	vst v2;
	v7 =	vld.idx.msk [tilespmem:v0+s3+$0x0], $0xffff  }
0x2aa: {  	[tilespmem:s0+$0x10] =	vst v4;
	v4 =	vld.idx.msk [tilespmem:v9+s3+$0x0], $0xffff  }
0x2ab: {  	v3 =	vld [tilespmem:s29+$0x40]  }
0x2ac: {  	v2 =	vld.idx.msk [tilespmem:v10+s3+$0x0], $0xffff  }
0x2ad: {  	v6 =	vld [tilespmem:s31+$0x20]  }
0x2ae: {  	s2 =	simm.s32 $0x6980;
	v0 =	vld [tilespmem:s1+$0xFFFFFFF0];
	s1 =	simm.s32 $0x6;
	[tilespmem:s25+$0x70] =	vst v7  }
.LBB2_8:
0x2af: {  	v7 =	vld [tilespmem:s2+$0x0];
	s1 =	sadd.s32 $0x2, s1;
	s16 =	smov.u32 s30;
	s30 =	smov.u32 s0  }
0x2b0: {  	v8 =	vld [tilespmem:s2+$0xFFFFFF80];
	p0 =	slt.u32 s1, $0xC6;
	[tilespmem:s0+$0xFFFFFF90] =	vst v5  }
0x2b1: {  	v1 =	vld.idx.msk [tilespmem:v1+s3+$0x0], $0xffff  }
0x2b2: {  	v5 =	vld [tilespmem:s31+$0xFFFFFFA0];
	[tilespmem:s16+$0xFFFFFFB0] =	vst v4  }
0x2b3: {  	v3 =	vld.idx.msk [tilespmem:v3+s3+$0x0], $0xffff  }
0x2b4: {  	v4 =	vld [tilespmem:s29+$0xFFFFFFC0];
	[tilespmem:s26+$0xFFFFFFD0] =	vst v2  }
0x2b5: {  	v2 =	vld.idx.msk [tilespmem:v6+s3+$0x0], $0xffff  }
0x2b6: {  	v6 =	vld [tilespmem:s28+$0xFFFFFFE0]  }
0x2b7: {  	v7 =	vld.idx.msk [tilespmem:v7+s3+$0x0], $0xffff;
	[tilespmem:s26+$0x60] =	vst v1  }
0x2b8: {  	v1 =	vld [tilespmem:s28+$0x70]  }
0x2b9: {  	v8 =	vld.idx.msk [tilespmem:v8+s3+$0x0], $0xffff;
	[tilespmem:s16+$0x40] =	vst v3  }
0x2ba: {  	v3 =	vld [tilespmem:s29+$0x50]  }
0x2bb: {  	v5 =	vld.idx.msk [tilespmem:v5+s3+$0x0], $0xffff;
	[tilespmem:s0+$0x20] =	vst v2  }
0x2bc: {  	s0 =	sadd.s32 $0x100, s0;
	v2 =	vld [tilespmem:s31+$0x30]  }
0x2bd: {  	[tilespmem:s0+$0x0] =	vst v7;
	v4 =	vld.idx.msk [tilespmem:v4+s3+$0x0], $0xffff  }
0x2be: {  	v7 =	vld [tilespmem:s2+$0x10]  }
0x2bf: {  	[tilespmem:s0+$0xFFFFFF80] =	vst v8;
	v6 =	vld.idx.msk [tilespmem:v6+s3+$0x0], $0xffff  }
0x2c0: {  	v1 =	vld.idx.msk [tilespmem:v1+s3+$0x0], $0xffff  }
0x2c1: {  	v8 =	vld [tilespmem:s2+$0xFFFFFF90];
	[tilespmem:s30+$0xFFFFFFA0] =	vst v5  }
0x2c2: {  	v3 =	vld.idx.msk [tilespmem:v3+s3+$0x0], $0xffff  }
0x2c3: {  	v9 =	vld [tilespmem:s31+$0xFFFFFFB0];
	[tilespmem:s16+$0xFFFFFFC0] =	vst v4  }
0x2c4: {  	v2 =	vld.idx.msk [tilespmem:v2+s3+$0x0], $0xffff  }
0x2c5: {  	v10 =	vld [tilespmem:s29+$0xFFFFFFD0];
	[tilespmem:s26+$0xFFFFFFE0] =	vst v6  }
0x2c6: {  	v4 =	vld.idx.msk [tilespmem:v7+s3+$0x0], $0xffff;
	[tilespmem:s26+$0x70] =	vst v1  }
0x2c7: {  	v6 =	vld [tilespmem:s28+$0xFFFFFFF0];
	s28 =	smov.u32 s29;
	s29 =	smov.u32 s31;
	s31 =	smov.u32 s2  }
0x2c8: {  	[tilespmem:s16+$0x50] =	vst v3;
	v7 =	vld.idx.msk [tilespmem:v0+s3+$0x0], $0xffff  }
0x2c9: {  	v1 =	vld [tilespmem:s28+$0x60]  }
.Ltmp3:
0x2ca: {  	v5 =	vld.idx.msk [tilespmem:v8+s3+$0x0], $0xffff;
	[tilespmem:s30+$0x30] =	vst v2;
	(pc) =	sbr.rel @p0 .LBB2_8-.Ltmp3, $4  }
0x2cb: {  	v3 =	vld [tilespmem:s29+$0x40]  }
0x2cc: {  	[tilespmem:s0+$0x10] =	vst v4;
	v4 =	vld.idx.msk [tilespmem:v9+s3+$0x0], $0xffff;
	v0 =	vmov v6  }
0x2cd: {  	v6 =	vld [tilespmem:s2+$0x20]  }
0x2ce: {  	s2 =	sadd.s32 $0x100, s2;
	v2 =	vld.idx.msk [tilespmem:v10+s3+$0x0], $0xffff;
	[tilespmem:s25+$0xFFFFFFF0] =	vst v7;
	s25 =	smov.u32 s26;
	s26 =	smov.u32 s16  }
0x2cf: {  	[tilespmem:s0+$0xFFFFFF90] =	vst v5  }
0x2d0: {  	v5 =	vld [tilespmem:s31+$0xFFFFFFA0];
	_ =	sdelay $0x6  }
0x2d1: {  	v6 =	vld.idx.msk [tilespmem:v6+s3+$0x0], $0xffff  }
0x2d2: {  	v5 =	vld.idx.msk [tilespmem:v5+s3+$0x0], $0xffff;
	_ =	sdelay $0x3  }
0x2d3: {  	[tilespmem:s0+$0x20] =	vst v6  }
0x2d4: {  	v6 =	vld [tilespmem:s31+$0x30];
	[tilespmem:s0+$0xFFFFFFA0] =	vst v5  }
0x2d5: {  	v5 =	vld [tilespmem:s31+$0xFFFFFFB0];
	_ =	sdelay $0x6  }
0x2d6: {  	v6 =	vld.idx.msk [tilespmem:v6+s3+$0x0], $0xffff  }
0x2d7: {  	v5 =	vld.idx.msk [tilespmem:v5+s3+$0x0], $0xffff;
	_ =	sdelay $0x2  }
0x2d8: {  	[tilespmem:s30+$0xFFFFFFB0] =	vst v4  }
0x2d9: {  	v59 =	vld [tilespmem:s29+$0xFFFFFFC0];
	[tilespmem:s0+$0x30] =	vst v6  }
0x2da: {  	v58 =	vld [tilespmem:s31+$0x40];
	[tilespmem:s0+$0xFFFFFFB0] =	vst v5  }
0x2db: {  	v5 =	vld [tilespmem:s31+$0xFFFFFFC0];
	_ =	sdelay $0x4  }
0x2dc: {  	v3 =	vld.idx.msk [tilespmem:v3+s3+$0x0], $0xffff  }
0x2dd: {  	v6 =	vld.idx.msk [tilespmem:v59+s3+$0x0], $0xffff  }
0x2de: {  	v4 =	vld.idx.msk [tilespmem:v58+s3+$0x0], $0xffff  }
0x2df: {  	v5 =	vld.idx.msk [tilespmem:v5+s3+$0x0], $0xffff;
	_ =	sdelay $0x1  }
0x2e0: {  	[tilespmem:s30+$0x40] =	vst v3  }
0x2e1: {  	v3 =	vld [tilespmem:s29+$0x50];
	[tilespmem:s30+$0xFFFFFFC0] =	vst v6  }
0x2e2: {  	v6 =	vld [tilespmem:s29+$0xFFFFFFD0];
	[tilespmem:s0+$0x40] =	vst v4  }
0x2e3: {  	v4 =	vld [tilespmem:s31+$0x50];
	[tilespmem:s0+$0xFFFFFFC0] =	vst v5  }
0x2e4: {  	v5 =	vld [tilespmem:s31+$0xFFFFFFD0];
	_ =	sdelay $0x4  }
0x2e5: {  	v3 =	vld.idx.msk [tilespmem:v3+s3+$0x0], $0xffff  }
0x2e6: {  	v6 =	vld.idx.msk [tilespmem:v6+s3+$0x0], $0xffff  }
0x2e7: {  	v4 =	vld.idx.msk [tilespmem:v4+s3+$0x0], $0xffff  }
0x2e8: {  	v5 =	vld.idx.msk [tilespmem:v5+s3+$0x0], $0xffff  }
0x2e9: {  	[tilespmem:s26+$0xFFFFFFD0] =	vst v2  }
0x2ea: {  	v61 =	vld [tilespmem:s28+$0xFFFFFFE0];
	[tilespmem:s30+$0x50] =	vst v3  }
0x2eb: {  	v60 =	vld [tilespmem:s29+$0x60];
	[tilespmem:s30+$0xFFFFFFD0] =	vst v6  }
0x2ec: {  	v6 =	vld [tilespmem:s29+$0xFFFFFFE0];
	[tilespmem:s0+$0x50] =	vst v4  }
0x2ed: {  	v4 =	vld [tilespmem:s31+$0x60];
	[tilespmem:s0+$0xFFFFFFD0] =	vst v5  }
0x2ee: {  	v5 =	vld [tilespmem:s31+$0xFFFFFFE0];
	_ =	sdelay $0x2  }
0x2ef: {  	v1 =	vld.idx.msk [tilespmem:v1+s3+$0x0], $0xffff  }
0x2f0: {  	v3 =	vld.idx.msk [tilespmem:v61+s3+$0x0], $0xffff  }
0x2f1: {  	v2 =	vld.idx.msk [tilespmem:v60+s3+$0x0], $0xffff  }
0x2f2: {  	v6 =	vld.idx.msk [tilespmem:v6+s3+$0x0], $0xffff  }
0x2f3: {  	v4 =	vld.idx.msk [tilespmem:v4+s3+$0x0], $0xffff  }
0x2f4: {  	[tilespmem:s26+$0x60] =	vst v1;
	v5 =	vld.idx.msk [tilespmem:v5+s3+$0x0], $0xffff  }
0x2f5: {  	v1 =	vld [tilespmem:s28+$0x70];
	[tilespmem:s26+$0xFFFFFFE0] =	vst v3  }
0x2f6: {  	v3 =	vld [tilespmem:s28+$0xFFFFFFF0];
	[tilespmem:s30+$0x60] =	vst v2  }
0x2f7: {  	v2 =	vld [tilespmem:s29+$0x70];
	[tilespmem:s30+$0xFFFFFFE0] =	vst v6  }
0x2f8: {  	v6 =	vld [tilespmem:s29+$0xFFFFFFF0];
	[tilespmem:s0+$0x60] =	vst v4  }
0x2f9: {  	v4 =	vld [tilespmem:s31+$0x70];
	[tilespmem:s0+$0xFFFFFFE0] =	vst v5  }
0x2fa: {  	v5 =	vld [tilespmem:s31+$0xFFFFFFF0];
	_ =	sdelay $0x1  }
0x2fb: {  	v0 =	vld.idx.msk [tilespmem:v0+s3+$0x0], $0xffff  }
0x2fc: {  	v1 =	vld.idx.msk [tilespmem:v1+s3+$0x0], $0xffff  }
0x2fd: {  	v3 =	vld.idx.msk [tilespmem:v3+s3+$0x0], $0xffff  }
0x2fe: {  	v2 =	vld.idx.msk [tilespmem:v2+s3+$0x0], $0xffff  }
0x2ff: {  	v62 =	vld.idx.msk [tilespmem:v6+s3+$0x0], $0xffff  }
0x300: {  	[tilespmem:s25+$0xFFFFFFF0] =	vst v0;
	v4 =	vld.idx.msk [tilespmem:v4+s3+$0x0], $0xffff  }
0x301: {  	[tilespmem:s26+$0x70] =	vst v1;
	v63 =	vld.idx.msk [tilespmem:v5+s3+$0x0], $0xffff  }
0x302: {  	[tilespmem:s26+$0xFFFFFFF0] =	vst v3  }
0x303: {  	[tilespmem:s30+$0x70] =	vst v2  }
0x304: {  	[tilespmem:s30+$0xFFFFFFF0] =	vst v62  }
0x305: {  	[tilespmem:s0+$0x70] =	vst v4  }
0x306: {  	s24 =	sadd.s32 $0x1, s24;
	[tilespmem:s0+$0xFFFFFFF0] =	vst v63  }
0x307: {  	[hbm4b:s11+s14] =	stream.strided.scatter [tilespmem:s21], [sflag:$0x4], $0x6400, s15, s14, $0x38;
	[tilespmem:$0x19100] =	vst v63  }
0x308: {  	p0 =	sne.s32 s24, s12;
	_ =	swait.ge [sflag:s22], $0x6400  }
.Ltmp4:
0x309: {  	[sflag:s22] =	ssyncset.done $0x0;
	(pc) =	sbr.rel @p0 .LBB2_1-.Ltmp4, $4  }
0x30a: {  	[sflag:s22] =	ssyncadd.s32 $0xFFFF9C00  }
0x30b: {  	_ =	swait.ge [sflag:s23], $0x6400  }
0x30c: {  	[sflag:s23] =	ssyncset.done $0x0  }
0x30d: {  	[sflag:s23] =	ssyncadd.s32 $0xFFFF9C00  }
0x30e: {  	_ =	sfence.sel $0x180000  }
0x30f: {  	[bflag:$0x0] =	sbarrier.arrive $0xFFFF  }
0x310: {  	_ =	strace $0x90000047  }
0x311: {  	s0 =	stileid.u32;
	[bflag:$0x2] =	sbarrier.arrive $0xFFFF  }
0x312: {  	p0 =	sne.s32 s0, $0x0;
	s0 =	rddreg [dreg:$0x3]  }
0x313: {  	s0 =	sadd.s32 @!p0 $0x100000, s0  }
0x314: {  	[sflag:s0] =	ssyncadd.tile.s32 @!p0 $0x1;
	_ =	shalt  }
.Lfunc_end2:
_tile_overlayer_lowered:
.L_overlay_start_2:
0x315: {  	(tag) =	ssettag $0x2  }
0x316: {  	s0 =	rddreg [dreg:$0x0];
	s2 =	stileid.u32  }
0x317: {  	s1 =	rddreg [dreg:$0x1];
	p0 =	sne.s32 s2, $0x0  }
0x318: {  	s3 =	rddreg [dreg:$0x2];
	[bflag:$0x3] =	sbarrier.arrive $0xFFFF;
	s2 =	simm.s32 @!p0 $0x1C05  }
0x319: {  	[timem:s3], [sflag:s2] =	dma.local @!p0 [hbm:s0], s1  }
0x31a: {  	s0 =	simm.s32 @!p0 $0x5  }
0x31b: {  	_ =	swait.ge @!p0 [sflag:s0], s1  }
0x31c: {  	s1 =	ssub.s32 @!p0 $0x0, s1;
	[sflag:s0] =	ssyncset.done @!p0 $0x0  }
0x31d: {  	[sflag:s0] =	ssyncadd.s32 @!p0 s1  }
0x31e: {  	[bflag:$0x3] =	sbarrier.arrive $0xFFFF  }
0x31f: {  	_ =	shalt  }

</sc_bundles>
